<compile_context>
chip_gen: v7x
topology: tpu7x:2x2x1
jax: 0.10.2.dev20260603
libtpu: 0.0.44.dev20260713+nightly
codegen_flags: <defaults>
</compile_context>

<pallas_src>
import functools

import jax
import jax.numpy as jnp
from jax import lax
from jax.experimental import pallas as pl
from jax.experimental.pallas import tpu as pltpu
from jax.experimental.pallas import tpu_sc as plsc

_V, _D, _H, _C, _B, _T = 100000, 128, 300, 1000, 1024, 32
_HP = 384
_CP = 1024



def _sc_gather(emb, idx_flat):
    n = idx_flat.shape[0]
    info = plsc.get_sparse_core_info()
    nw = info.num_cores * info.num_subcores
    b_per_w = n // nw
    ch = min(256, b_per_w)
    n_ch = b_per_w // ch
    mesh = plsc.VectorSubcoreMesh(core_axis_name="c", subcore_axis_name="s")

    @functools.partial(
        pl.kernel,
        mesh=mesh,
        out_type=jax.ShapeDtypeStruct((n, _D), jnp.float32),
        scratch_types=[
            pltpu.VMEM((b_per_w,), jnp.int32),
            pltpu.VMEM((2, ch, _D), jnp.float32),
            pltpu.SemaphoreType.DMA,
            pltpu.SemaphoreType.DMA,
            pltpu.SemaphoreType.DMA,
            pltpu.SemaphoreType.DMA,
        ],
    )
    def gather_kernel(table_hbm, idx_hbm, out_hbm, idx_v, rows_v,
                      gs0, gs1, os0, os1):
        wid = lax.axis_index("s") * info.num_cores + lax.axis_index("c")
        base = wid * b_per_w
        pltpu.sync_copy(idx_hbm.at[pl.ds(base, b_per_w)], idx_v)
        gsems, osems = (gs0, gs1), (os0, os1)

        def start_get(c):
            return pltpu.async_copy(
                table_hbm.at[idx_v.at[pl.ds(c * ch, ch)]],
                rows_v.at[c % 2], gsems[c % 2])

        def start_put(c):
            return pltpu.async_copy(
                rows_v.at[c % 2], out_hbm.at[pl.ds(base + c * ch, ch)],
                osems[c % 2])

        gets, puts = [None] * n_ch, [None] * n_ch
        gets[0] = start_get(0)
        if n_ch > 1:
            gets[1] = start_get(1)
        for c in range(n_ch):
            gets[c].wait()
            puts[c] = start_put(c)
            if c + 2 < n_ch:
                puts[c].wait()
                gets[c + 2] = start_get(c + 2)
        for c in range(max(0, n_ch - 2), n_ch):
            puts[c].wait()

    return gather_kernel(emb, idx_flat)



def _tc_gru_chunk(x_tm, h_in, wrz, win, whn, brz, bn_i, bn_h, wout, bout,
                  final):
    t_len = x_tm.shape[0]
    bf = jnp.bfloat16

    def body(x_ref, h0_ref, wrz_ref, win_ref, whn_ref, brz_ref, bni_ref,
             bnh_ref, wout_ref, bout_ref, out_ref):
        w_rz = wrz_ref[...]
        w_in = win_ref[...]
        w_hn = whn_ref[...]
        b_rz = brz_ref[...]
        b_ni = bni_ref[...]
        b_nh = bnh_ref[...]

        def step(t, h):
            x_t = x_ref[t].astype(bf)
            h_b = h.astype(bf)
            xh = jnp.concatenate([x_t, h_b], axis=1)
            rz = jnp.dot(xh, w_rz, preferred_element_type=jnp.float32)
            i_n = jnp.dot(x_t, w_in, preferred_element_type=jnp.float32)
            h_n = jnp.dot(h_b, w_hn, preferred_element_type=jnp.float32)
            r = jax.nn.sigmoid(rz[:, :_HP] + b_rz[:, :_HP])
            z = jax.nn.sigmoid(rz[:, _HP:] + b_rz[:, _HP:])
            n = jnp.tanh(i_n + b_ni + r * (h_n + b_nh))
            return (1.0 - z) * n + z * h

        h = lax.fori_loop(0, t_len, step, h0_ref[...], unroll=2)
        if final:
            out_ref[...] = (
                jnp.dot(h, wout_ref[...], preferred_element_type=jnp.float32)
                + bout_ref[...])
        else:
            out_ref[...] = h

    out_shape = (_B, _CP) if final else (_B, _HP)
    full = lambda s: pl.BlockSpec(s, lambda: tuple(0 for _ in s))
    return pl.pallas_call(
        body,
        in_specs=[
            full((t_len, _B, _D)),
            full((_B, _HP)),
            full((_D + _HP, 2 * _HP)),
            full((_D, _HP)),
            full((_HP, _HP)),
            full((1, 2 * _HP)),
            full((1, _HP)),
            full((1, _HP)),
            full((_HP, _CP)),
            full((1, _CP)),
        ],
        out_specs=full(out_shape),
        out_shape=jax.ShapeDtypeStruct(out_shape, jnp.float32),
    )(x_tm, h_in, wrz, win, whn, brz, bn_i, bn_h, wout, bout)



def _pad_gates(w, k):
    parts = jnp.split(w, k, axis=-1)
    pad = [(0, 0)] * (w.ndim - 1) + [(0, _HP - _H)]
    return jnp.concatenate([jnp.pad(p, pad) for p in parts], axis=-1)


def kernel(sequence, emb, W_ih, W_hh, b_ih, b_hh, W_out, b_out):
    idx = jnp.asarray(sequence, jnp.int32).T.reshape(-1)

    bf = jnp.bfloat16
    wrz = jnp.concatenate([
        _pad_gates(W_ih[:, :2 * _H], 2),
        jnp.pad(_pad_gates(W_hh[:, :2 * _H], 2), ((0, _HP - _H), (0, 0))),
    ], axis=0).astype(bf)
    win = _pad_gates(W_ih[:, 2 * _H:], 1).astype(bf)
    whn = jnp.pad(_pad_gates(W_hh[:, 2 * _H:], 1),
                  ((0, _HP - _H), (0, 0))).astype(bf)
    brz = _pad_gates(b_ih[:2 * _H] + b_hh[:2 * _H], 2)[None, :]
    bni = _pad_gates(b_ih[2 * _H:], 1)[None, :]
    bnh = _pad_gates(b_hh[2 * _H:], 1)[None, :]
    wout = jnp.pad(W_out, ((0, _HP - _H), (0, _CP - _C)))
    bout = jnp.pad(b_out, ((0, _CP - _C)))[None, :]

    t_half = _T // 2
    n_half = t_half * _B
    x0 = _sc_gather(emb, idx[:n_half]).reshape(t_half, _B, _D)
    x1 = _sc_gather(emb, idx[n_half:]).reshape(t_half, _B, _D)

    h = jnp.zeros((_B, _HP), jnp.float32)
    h = _tc_gru_chunk(x0, h, wrz, win, whn, brz, bni, bnh, wout, bout,
                      final=False)
    logits = _tc_gru_chunk(x1, h, wrz, win, whn, brz, bni, bnh, wout, bout,
                           final=True)
    return logits[:, :_C]

# --- scband reference (transcript-rebuilt; emitter-appended) ---
"""Pipeline reference for scband-glove-model-3109556322989 (READ-ONLY COPY).

The authoritative reference and input builder live on the scoring server;
editing this copy changes nothing except your own understanding.
"""

import jax, jax.numpy as jnp
import numpy as np

V, D, H, C, B, T = 100000, 128, 300, 1000, 1024, 32

def setup_inputs(seed: int = 0):
    key = jax.random.key(seed)
    ks = jax.random.split(key, 8)
    emb = jax.random.normal(ks[0], (V, D), dtype=jnp.float32)
    emb = emb.at[1].set(0.0)  # padding_idx=1 row zeroed
    s = 1.0 / np.sqrt(H)
    W_ih = jax.random.uniform(ks[1], (D, 3 * H), dtype=jnp.float32, minval=-s, maxval=s)
    W_hh = jax.random.uniform(ks[2], (H, 3 * H), dtype=jnp.float32, minval=-s, maxval=s)
    b_ih = jax.random.uniform(ks[3], (3 * H,), dtype=jnp.float32, minval=-s, maxval=s)
    b_hh = jax.random.uniform(ks[4], (3 * H,), dtype=jnp.float32, minval=-s, maxval=s)
    W_out = jax.random.uniform(ks[5], (H, C), dtype=jnp.float32, minval=-s, maxval=s)
    b_out = jax.random.uniform(ks[6], (C,), dtype=jnp.float32, minval=-s, maxval=s)
    sequence = jax.random.randint(ks[7], (B, T), 0, V, dtype=jnp.int64)
    return {"sequence": sequence, "emb": emb, "W_ih": W_ih, "W_hh": W_hh,
            "b_ih": b_ih, "b_hh": b_hh, "W_out": W_out, "b_out": b_out}

def _gru_forward(x, W_ih, W_hh, b_ih, b_hh):
    # x: [B, T, D] -> scan over time, torch nn.GRU gate math (r, z, n)
    Bc = x.shape[0]
    h0 = jnp.zeros((Bc, H), dtype=x.dtype)
    xT = jnp.swapaxes(x, 0, 1)  # [T, B, D]
    def step(h, x_t):
        gi = x_t @ W_ih + b_ih
        gh = h @ W_hh + b_hh
        i_r, i_z, i_n = jnp.split(gi, 3, axis=-1)
        h_r, h_z, h_n = jnp.split(gh, 3, axis=-1)
        r = jax.nn.sigmoid(i_r + h_r)
        z = jax.nn.sigmoid(i_z + h_z)
        n = jnp.tanh(i_n + r * h_n)
        h_new = (1.0 - z) * n + z * h
        return h_new, None
    h_last, _ = jax.lax.scan(step, h0, xT)
    return h_last

def reference(sequence, emb, W_ih, W_hh, b_ih, b_hh, W_out, b_out):
    # embedding lookup (SparseCore gather)
    x = jnp.take(emb, sequence, axis=0)  # [B, T, D]
    h = _gru_forward(x, W_ih, W_hh, b_ih, b_hh)
    logits = h @ W_out + b_out  # [B, C]
    return logits

if __name__ == "__main__":
    import jax
    _d = setup_inputs()
    print(jax.jit(kernel)(*tuple(_d.values())))

</pallas_src>

<mosaic_0001>
#map = affine_map<(d0, d1) -> (0, 0)>
#map1 = affine_map<(d0, d1) -> (0)>
module attributes {stable_mosaic.version = 14 : i64} {
  func.func @gather_kernel(%arg0: i32, %arg1: i32, %arg2: memref<100000x128xf32, #tpu.memory_space<hbm>>, %arg3: memref<16384xi32, #tpu.memory_space<hbm>>, %arg4: memref<16384x128xf32, #tpu.memory_space<hbm>>, %arg5: memref<512xi32, #tpu.memory_space<vmem>>, %arg6: memref<2x256x128xf32, #tpu.memory_space<vmem>>, %arg7: memref<!tpu.dma_semaphore, #tpu.memory_space<semaphore_mem>>, %arg8: memref<!tpu.dma_semaphore, #tpu.memory_space<semaphore_mem>>, %arg9: memref<!tpu.dma_semaphore, #tpu.memory_space<semaphore_mem>>, %arg10: memref<!tpu.dma_semaphore, #tpu.memory_space<semaphore_mem>>) attributes {dimension_semantics = [#tpu.dimension_semantics<core_parallel>, #tpu.dimension_semantics<subcore_parallel>], iteration_bounds = array<i64: 2, 16>, scalar_prefetch = 0 : i64, scratch_operands = 6 : i64, tpu.core_type = #tpu.core_type<sc_vector_subcore>, window_params = [{transform_indices = #map}, {transform_indices = #map1}, {transform_indices = #map}]} {
    %mul3A = arith.constant 2 : i32
    %mul3A_0 = arith.muli %arg1, %mul3A : i32
    %add3A = arith.addi %mul3A_0, %arg0 : i32
    %mul3A_1 = arith.constant 512 : i32
    %mul3A_2 = arith.muli %add3A, %mul3A_1 : i32
    "tpu.region"() ({
      %run_scoped3A = tpu.sem_alloc : memref<!tpu.dma_semaphore, #tpu.memory_space<semaphore_mem>>
      %dma_start3A_97 = tpu.memref_slice %arg3[%mul3A_2] : memref<16384xi32, #tpu.memory_space<hbm>> -> memref<512xi32, #tpu.memory_space<hbm>>
      %dma_start3A_98 = tpu.memref_slice %arg3[%mul3A_2] : memref<16384xi32, #tpu.memory_space<hbm>> -> memref<512xi32, #tpu.memory_space<hbm>>
      tpu.enqueue_dma source(%dma_start3A_98 : memref<512xi32, #tpu.memory_space<hbm>>) target(%arg5 : memref<512xi32, #tpu.memory_space<vmem>>) target_semaphore(%run_scoped3A : memref<!tpu.dma_semaphore, #tpu.memory_space<semaphore_mem>>)
      %dma_wait3A_99 = tpu.memref_slice %arg3[%mul3A_2] : memref<16384xi32, #tpu.memory_space<hbm>> -> memref<512xi32, #tpu.memory_space<hbm>>
      %dma_wait3A_100 = tpu.memref_slice %arg3[%mul3A_2] : memref<16384xi32, #tpu.memory_space<hbm>> -> memref<512xi32, #tpu.memory_space<hbm>>
      tpu.wait_dma2 semaphore(%run_scoped3A : memref<!tpu.dma_semaphore, #tpu.memory_space<semaphore_mem>>) src(%dma_wait3A_100 : memref<512xi32, #tpu.memory_space<hbm>>) dst(%arg5 : memref<512xi32, #tpu.memory_space<vmem>>)
      tpu.yield
    }) : () -> ()
    %dma_start3A = arith.constant 0 : i32
    %dma_start3A_3 = arith.constant 0 : i32
    %dma_start3A_4 = arith.constant 0 : i32
    %dma_start3A_5 = tpu.memref_slice %arg6[%dma_start3A, %dma_start3A_3, %dma_start3A_4] : memref<2x256x128xf32, #tpu.memory_space<vmem>> -> memref<1x256x128xf32, #tpu.memory_space<vmem>>
    %dma_start3A_6 = tpu.memref_squeeze %dma_start3A_5 : memref<1x256x128xf32, #tpu.memory_space<vmem>> -> memref<256x128xf32, #tpu.memory_space<vmem>>
    %dma_start3A_7 = arith.constant 0 : i32
    %dma_start3A_8 = tpu.memref_slice %arg5[%dma_start3A_7] : memref<512xi32, #tpu.memory_space<vmem>> -> memref<256xi32, #tpu.memory_space<vmem>>
    %dma_start3A_9 = arith.constant 0 : i32
    %dma_start3A_10 = arith.constant 0 : i32
    %dma_start3A_11 = tpu.memref_slice %arg2[%dma_start3A_9, %dma_start3A_10] : memref<100000x128xf32, #tpu.memory_space<hbm>> -> memref<100000x128xf32, #tpu.memory_space<hbm>>
    tpu.enqueue_indirect_dma source(%dma_start3A_11 : memref<100000x128xf32, #tpu.memory_space<hbm>>) target(%dma_start3A_6 : memref<256x128xf32, #tpu.memory_space<vmem>>) offsets(%dma_start3A_8 : memref<256xi32, #tpu.memory_space<vmem>>) semaphore(%arg7 : memref<!tpu.dma_semaphore, #tpu.memory_space<semaphore_mem>>)
    %dma_start3A_12 = arith.constant 1 : i32
    %dma_start3A_13 = arith.constant 0 : i32
    %dma_start3A_14 = arith.constant 0 : i32
    %dma_start3A_15 = tpu.memref_slice %arg6[%dma_start3A_12, %dma_start3A_13, %dma_start3A_14] : memref<2x256x128xf32, #tpu.memory_space<vmem>> -> memref<1x256x128xf32, #tpu.memory_space<vmem>>
    %dma_start3A_16 = tpu.memref_squeeze %dma_start3A_15 : memref<1x256x128xf32, #tpu.memory_space<vmem>> -> memref<256x128xf32, #tpu.memory_space<vmem>>
    %dma_start3A_17 = arith.constant 256 : i32
    %dma_start3A_18 = tpu.memref_slice %arg5[%dma_start3A_17] : memref<512xi32, #tpu.memory_space<vmem>> -> memref<256xi32, #tpu.memory_space<vmem>>
    %dma_start3A_19 = arith.constant 0 : i32
    %dma_start3A_20 = arith.constant 0 : i32
    %dma_start3A_21 = tpu.memref_slice %arg2[%dma_start3A_19, %dma_start3A_20] : memref<100000x128xf32, #tpu.memory_space<hbm>> -> memref<100000x128xf32, #tpu.memory_space<hbm>>
    tpu.enqueue_indirect_dma source(%dma_start3A_21 : memref<100000x128xf32, #tpu.memory_space<hbm>>) target(%dma_start3A_16 : memref<256x128xf32, #tpu.memory_space<vmem>>) offsets(%dma_start3A_18 : memref<256xi32, #tpu.memory_space<vmem>>) semaphore(%arg8 : memref<!tpu.dma_semaphore, #tpu.memory_space<semaphore_mem>>)
    %dma_wait3A = arith.constant 0 : i32
    %dma_wait3A_22 = arith.constant 0 : i32
    %dma_wait3A_23 = arith.constant 0 : i32
    %dma_wait3A_24 = tpu.memref_slice %arg6[%dma_wait3A, %dma_wait3A_22, %dma_wait3A_23] : memref<2x256x128xf32, #tpu.memory_space<vmem>> -> memref<1x256x128xf32, #tpu.memory_space<vmem>>
    %dma_wait3A_25 = tpu.memref_squeeze %dma_wait3A_24 : memref<1x256x128xf32, #tpu.memory_space<vmem>> -> memref<256x128xf32, #tpu.memory_space<vmem>>
    %dma_wait3A_26 = arith.constant 0 : i32
    %dma_wait3A_27 = tpu.memref_slice %arg5[%dma_wait3A_26] : memref<512xi32, #tpu.memory_space<vmem>> -> memref<256xi32, #tpu.memory_space<vmem>>
    %dma_wait3A_28 = arith.constant 0 : i32
    %dma_wait3A_29 = arith.constant 0 : i32
    %dma_wait3A_30 = tpu.memref_slice %arg2[%dma_wait3A_28, %dma_wait3A_29] : memref<100000x128xf32, #tpu.memory_space<hbm>> -> memref<100000x128xf32, #tpu.memory_space<hbm>>
    tpu.wait_indirect_dma semaphore(%arg7 : memref<!tpu.dma_semaphore, #tpu.memory_space<semaphore_mem>>) src(%dma_wait3A_30 : memref<100000x128xf32, #tpu.memory_space<hbm>>) dst(%dma_wait3A_25 : memref<256x128xf32, #tpu.memory_space<vmem>>)
    %add3A_31 = arith.constant 0 : i32
    %add3A_32 = arith.addi %mul3A_2, %add3A_31 : i32
    %dma_start3A_33 = arith.constant 0 : i32
    %dma_start3A_34 = arith.constant 0 : i32
    %dma_start3A_35 = arith.constant 0 : i32
    %dma_start3A_36 = tpu.memref_slice %arg6[%dma_start3A_33, %dma_start3A_34, %dma_start3A_35] : memref<2x256x128xf32, #tpu.memory_space<vmem>> -> memref<1x256x128xf32, #tpu.memory_space<vmem>>
    %dma_start3A_37 = tpu.memref_squeeze %dma_start3A_36 : memref<1x256x128xf32, #tpu.memory_space<vmem>> -> memref<256x128xf32, #tpu.memory_space<vmem>>
    %dma_start3A_38 = arith.constant 0 : i32
    %dma_start3A_39 = tpu.memref_slice %arg4[%add3A_32, %dma_start3A_38] : memref<16384x128xf32, #tpu.memory_space<hbm>> -> memref<256x128xf32, #tpu.memory_space<hbm>>
    %dma_start3A_40 = arith.constant 0 : i32
    %dma_start3A_41 = tpu.memref_slice %arg4[%add3A_32, %dma_start3A_40] : memref<16384x128xf32, #tpu.memory_space<hbm>> -> memref<256x128xf32, #tpu.memory_space<hbm>>
    %dma_start3A_42 = arith.constant 0 : i32
    %dma_start3A_43 = arith.constant 0 : i32
    %dma_start3A_44 = tpu.memref_slice %arg6[%dma_start3A_33, %dma_start3A_42, %dma_start3A_43] : memref<2x256x128xf32, #tpu.memory_space<vmem>> -> memref<1x256x128xf32, #tpu.memory_space<vmem>>
    %dma_start3A_45 = tpu.memref_squeeze %dma_start3A_44 : memref<1x256x128xf32, #tpu.memory_space<vmem>> -> memref<256x128xf32, #tpu.memory_space<vmem>>
    tpu.enqueue_dma source(%dma_start3A_45 : memref<256x128xf32, #tpu.memory_space<vmem>>) target(%dma_start3A_41 : memref<256x128xf32, #tpu.memory_space<hbm>>) target_semaphore(%arg9 : memref<!tpu.dma_semaphore, #tpu.memory_space<semaphore_mem>>)
    %dma_wait3A_46 = arith.constant 1 : i32
    %dma_wait3A_47 = arith.constant 0 : i32
    %dma_wait3A_48 = arith.constant 0 : i32
    %dma_wait3A_49 = tpu.memref_slice %arg6[%dma_wait3A_46, %dma_wait3A_47, %dma_wait3A_48] : memref<2x256x128xf32, #tpu.memory_space<vmem>> -> memref<1x256x128xf32, #tpu.memory_space<vmem>>
    %dma_wait3A_50 = tpu.memref_squeeze %dma_wait3A_49 : memref<1x256x128xf32, #tpu.memory_space<vmem>> -> memref<256x128xf32, #tpu.memory_space<vmem>>
    %dma_wait3A_51 = arith.constant 256 : i32
    %dma_wait3A_52 = tpu.memref_slice %arg5[%dma_wait3A_51] : memref<512xi32, #tpu.memory_space<vmem>> -> memref<256xi32, #tpu.memory_space<vmem>>
    %dma_wait3A_53 = arith.constant 0 : i32
    %dma_wait3A_54 = arith.constant 0 : i32
    %dma_wait3A_55 = tpu.memref_slice %arg2[%dma_wait3A_53, %dma_wait3A_54] : memref<100000x128xf32, #tpu.memory_space<hbm>> -> memref<100000x128xf32, #tpu.memory_space<hbm>>
    tpu.wait_indirect_dma semaphore(%arg8 : memref<!tpu.dma_semaphore, #tpu.memory_space<semaphore_mem>>) src(%dma_wait3A_55 : memref<100000x128xf32, #tpu.memory_space<hbm>>) dst(%dma_wait3A_50 : memref<256x128xf32, #tpu.memory_space<vmem>>)
    %add3A_56 = arith.constant 256 : i32
    %add3A_57 = arith.addi %mul3A_2, %add3A_56 : i32
    %dma_start3A_58 = arith.constant 1 : i32
    %dma_start3A_59 = arith.constant 0 : i32
    %dma_start3A_60 = arith.constant 0 : i32
    %dma_start3A_61 = tpu.memref_slice %arg6[%dma_start3A_58, %dma_start3A_59, %dma_start3A_60] : memref<2x256x128xf32, #tpu.memory_space<vmem>> -> memref<1x256x128xf32, #tpu.memory_space<vmem>>
    %dma_start3A_62 = tpu.memref_squeeze %dma_start3A_61 : memref<1x256x128xf32, #tpu.memory_space<vmem>> -> memref<256x128xf32, #tpu.memory_space<vmem>>
    %dma_start3A_63 = arith.constant 0 : i32
    %dma_start3A_64 = tpu.memref_slice %arg4[%add3A_57, %dma_start3A_63] : memref<16384x128xf32, #tpu.memory_space<hbm>> -> memref<256x128xf32, #tpu.memory_space<hbm>>
    %dma_start3A_65 = arith.constant 0 : i32
    %dma_start3A_66 = tpu.memref_slice %arg4[%add3A_57, %dma_start3A_65] : memref<16384x128xf32, #tpu.memory_space<hbm>> -> memref<256x128xf32, #tpu.memory_space<hbm>>
    %dma_start3A_67 = arith.constant 0 : i32
    %dma_start3A_68 = arith.constant 0 : i32
    %dma_start3A_69 = tpu.memref_slice %arg6[%dma_start3A_58, %dma_start3A_67, %dma_start3A_68] : memref<2x256x128xf32, #tpu.memory_space<vmem>> -> memref<1x256x128xf32, #tpu.memory_space<vmem>>
    %dma_start3A_70 = tpu.memref_squeeze %dma_start3A_69 : memref<1x256x128xf32, #tpu.memory_space<vmem>> -> memref<256x128xf32, #tpu.memory_space<vmem>>
    tpu.enqueue_dma source(%dma_start3A_70 : memref<256x128xf32, #tpu.memory_space<vmem>>) target(%dma_start3A_66 : memref<256x128xf32, #tpu.memory_space<hbm>>) target_semaphore(%arg10 : memref<!tpu.dma_semaphore, #tpu.memory_space<semaphore_mem>>)
    %dma_wait3A_71 = arith.constant 0 : i32
    %dma_wait3A_72 = arith.constant 0 : i32
    %dma_wait3A_73 = arith.constant 0 : i32
    %dma_wait3A_74 = tpu.memref_slice %arg6[%dma_wait3A_71, %dma_wait3A_72, %dma_wait3A_73] : memref<2x256x128xf32, #tpu.memory_space<vmem>> -> memref<1x256x128xf32, #tpu.memory_space<vmem>>
    %dma_wait3A_75 = tpu.memref_squeeze %dma_wait3A_74 : memref<1x256x128xf32, #tpu.memory_space<vmem>> -> memref<256x128xf32, #tpu.memory_space<vmem>>
    %dma_wait3A_76 = arith.constant 0 : i32
    %dma_wait3A_77 = tpu.memref_slice %arg4[%add3A_32, %dma_wait3A_76] : memref<16384x128xf32, #tpu.memory_space<hbm>> -> memref<256x128xf32, #tpu.memory_space<hbm>>
    %dma_wait3A_78 = arith.constant 0 : i32
    %dma_wait3A_79 = tpu.memref_slice %arg4[%add3A_32, %dma_wait3A_78] : memref<16384x128xf32, #tpu.memory_space<hbm>> -> memref<256x128xf32, #tpu.memory_space<hbm>>
    %dma_wait3A_80 = arith.constant 0 : i32
    %dma_wait3A_81 = arith.constant 0 : i32
    %dma_wait3A_82 = tpu.memref_slice %arg6[%dma_wait3A_71, %dma_wait3A_80, %dma_wait3A_81] : memref<2x256x128xf32, #tpu.memory_space<vmem>> -> memref<1x256x128xf32, #tpu.memory_space<vmem>>
    %dma_wait3A_83 = tpu.memref_squeeze %dma_wait3A_82 : memref<1x256x128xf32, #tpu.memory_space<vmem>> -> memref<256x128xf32, #tpu.memory_space<vmem>>
    tpu.wait_dma2 semaphore(%arg9 : memref<!tpu.dma_semaphore, #tpu.memory_space<semaphore_mem>>) src(%dma_wait3A_83 : memref<256x128xf32, #tpu.memory_space<vmem>>) dst(%dma_wait3A_79 : memref<256x128xf32, #tpu.memory_space<hbm>>)
    %dma_wait3A_84 = arith.constant 1 : i32
    %dma_wait3A_85 = arith.constant 0 : i32
    %dma_wait3A_86 = arith.constant 0 : i32
    %dma_wait3A_87 = tpu.memref_slice %arg6[%dma_wait3A_84, %dma_wait3A_85, %dma_wait3A_86] : memref<2x256x128xf32, #tpu.memory_space<vmem>> -> memref<1x256x128xf32, #tpu.memory_space<vmem>>
    %dma_wait3A_88 = tpu.memref_squeeze %dma_wait3A_87 : memref<1x256x128xf32, #tpu.memory_space<vmem>> -> memref<256x128xf32, #tpu.memory_space<vmem>>
    %dma_wait3A_89 = arith.constant 0 : i32
    %dma_wait3A_90 = tpu.memref_slice %arg4[%add3A_57, %dma_wait3A_89] : memref<16384x128xf32, #tpu.memory_space<hbm>> -> memref<256x128xf32, #tpu.memory_space<hbm>>
    %dma_wait3A_91 = arith.constant 0 : i32
    %dma_wait3A_92 = tpu.memref_slice %arg4[%add3A_57, %dma_wait3A_91] : memref<16384x128xf32, #tpu.memory_space<hbm>> -> memref<256x128xf32, #tpu.memory_space<hbm>>
    %dma_wait3A_93 = arith.constant 0 : i32
    %dma_wait3A_94 = arith.constant 0 : i32
    %dma_wait3A_95 = tpu.memref_slice %arg6[%dma_wait3A_84, %dma_wait3A_93, %dma_wait3A_94] : memref<2x256x128xf32, #tpu.memory_space<vmem>> -> memref<1x256x128xf32, #tpu.memory_space<vmem>>
    %dma_wait3A_96 = tpu.memref_squeeze %dma_wait3A_95 : memref<1x256x128xf32, #tpu.memory_space<vmem>> -> memref<256x128xf32, #tpu.memory_space<vmem>>
    tpu.wait_dma2 semaphore(%arg10 : memref<!tpu.dma_semaphore, #tpu.memory_space<semaphore_mem>>) src(%dma_wait3A_96 : memref<256x128xf32, #tpu.memory_space<vmem>>) dst(%dma_wait3A_92 : memref<256x128xf32, #tpu.memory_space<hbm>>)
    return
  }
}

#map = affine_map<(d0, d1) -> (0, 0)>
#map1 = affine_map<(d0, d1) -> (0)>
module attributes {stable_mosaic.version = 14 : i64} {
  func.func @gather_kernel(%arg0: i32, %arg1: i32, %arg2: memref<100000x128xf32, #tpu.memory_space<hbm>>, %arg3: memref<16384xi32, #tpu.memory_space<hbm>>, %arg4: memref<16384x128xf32, #tpu.memory_space<hbm>>, %arg5: memref<512xi32, #tpu.memory_space<vmem>>, %arg6: memref<2x256x128xf32, #tpu.memory_space<vmem>>, %arg7: memref<!tpu.dma_semaphore, #tpu.memory_space<semaphore_mem>>, %arg8: memref<!tpu.dma_semaphore, #tpu.memory_space<semaphore_mem>>, %arg9: memref<!tpu.dma_semaphore, #tpu.memory_space<semaphore_mem>>, %arg10: memref<!tpu.dma_semaphore, #tpu.memory_space<semaphore_mem>>) attributes {dimension_semantics = [#tpu.dimension_semantics<core_parallel>, #tpu.dimension_semantics<subcore_parallel>], iteration_bounds = array<i64: 2, 16>, scalar_prefetch = 0 : i64, scratch_operands = 6 : i64, tpu.core_type = #tpu.core_type<sc_vector_subcore>, window_params = [{transform_indices = #map}, {transform_indices = #map1}, {transform_indices = #map}]} {
    %mul3A = arith.constant 2 : i32
    %mul3A_0 = arith.muli %arg1, %mul3A : i32
    %add3A = arith.addi %mul3A_0, %arg0 : i32
    %mul3A_1 = arith.constant 512 : i32
    %mul3A_2 = arith.muli %add3A, %mul3A_1 : i32
    "tpu.region"() ({
      %run_scoped3A = tpu.sem_alloc : memref<!tpu.dma_semaphore, #tpu.memory_space<semaphore_mem>>
      %dma_start3A_97 = tpu.memref_slice %arg3[%mul3A_2] : memref<16384xi32, #tpu.memory_space<hbm>> -> memref<512xi32, #tpu.memory_space<hbm>>
      %dma_start3A_98 = tpu.memref_slice %arg3[%mul3A_2] : memref<16384xi32, #tpu.memory_space<hbm>> -> memref<512xi32, #tpu.memory_space<hbm>>
      tpu.enqueue_dma source(%dma_start3A_98 : memref<512xi32, #tpu.memory_space<hbm>>) target(%arg5 : memref<512xi32, #tpu.memory_space<vmem>>) target_semaphore(%run_scoped3A : memref<!tpu.dma_semaphore, #tpu.memory_space<semaphore_mem>>)
      %dma_wait3A_99 = tpu.memref_slice %arg3[%mul3A_2] : memref<16384xi32, #tpu.memory_space<hbm>> -> memref<512xi32, #tpu.memory_space<hbm>>
      %dma_wait3A_100 = tpu.memref_slice %arg3[%mul3A_2] : memref<16384xi32, #tpu.memory_space<hbm>> -> memref<512xi32, #tpu.memory_space<hbm>>
      tpu.wait_dma2 semaphore(%run_scoped3A : memref<!tpu.dma_semaphore, #tpu.memory_space<semaphore_mem>>) src(%dma_wait3A_100 : memref<512xi32, #tpu.memory_space<hbm>>) dst(%arg5 : memref<512xi32, #tpu.memory_space<vmem>>)
      tpu.yield
    }) : () -> ()
    %dma_start3A = arith.constant 0 : i32
    %dma_start3A_3 = arith.constant 0 : i32
    %dma_start3A_4 = arith.constant 0 : i32
    %dma_start3A_5 = tpu.memref_slice %arg6[%dma_start3A, %dma_start3A_3, %dma_start3A_4] : memref<2x256x128xf32, #tpu.memory_space<vmem>> -> memref<1x256x128xf32, #tpu.memory_space<vmem>>
    %dma_start3A_6 = tpu.memref_squeeze %dma_start3A_5 : memref<1x256x128xf32, #tpu.memory_space<vmem>> -> memref<256x128xf32, #tpu.memory_space<vmem>>
    %dma_start3A_7 = arith.constant 0 : i32
    %dma_start3A_8 = tpu.memref_slice %arg5[%dma_start3A_7] : memref<512xi32, #tpu.memory_space<vmem>> -> memref<256xi32, #tpu.memory_space<vmem>>
    %dma_start3A_9 = arith.constant 0 : i32
    %dma_start3A_10 = arith.constant 0 : i32
    %dma_start3A_11 = tpu.memref_slice %arg2[%dma_start3A_9, %dma_start3A_10] : memref<100000x128xf32, #tpu.memory_space<hbm>> -> memref<100000x128xf32, #tpu.memory_space<hbm>>
    tpu.enqueue_indirect_dma source(%dma_start3A_11 : memref<100000x128xf32, #tpu.memory_space<hbm>>) target(%dma_start3A_6 : memref<256x128xf32, #tpu.memory_space<vmem>>) offsets(%dma_start3A_8 : memref<256xi32, #tpu.memory_space<vmem>>) semaphore(%arg7 : memref<!tpu.dma_semaphore, #tpu.memory_space<semaphore_mem>>)
    %dma_start3A_12 = arith.constant 1 : i32
    %dma_start3A_13 = arith.constant 0 : i32
    %dma_start3A_14 = arith.constant 0 : i32
    %dma_start3A_15 = tpu.memref_slice %arg6[%dma_start3A_12, %dma_start3A_13, %dma_start3A_14] : memref<2x256x128xf32, #tpu.memory_space<vmem>> -> memref<1x256x128xf32, #tpu.memory_space<vmem>>
    %dma_start3A_16 = tpu.memref_squeeze %dma_start3A_15 : memref<1x256x128xf32, #tpu.memory_space<vmem>> -> memref<256x128xf32, #tpu.memory_space<vmem>>
    %dma_start3A_17 = arith.constant 256 : i32
    %dma_start3A_18 = tpu.memref_slice %arg5[%dma_start3A_17] : memref<512xi32, #tpu.memory_space<vmem>> -> memref<256xi32, #tpu.memory_space<vmem>>
    %dma_start3A_19 = arith.constant 0 : i32
    %dma_start3A_20 = arith.constant 0 : i32
    %dma_start3A_21 = tpu.memref_slice %arg2[%dma_start3A_19, %dma_start3A_20] : memref<100000x128xf32, #tpu.memory_space<hbm>> -> memref<100000x128xf32, #tpu.memory_space<hbm>>
    tpu.enqueue_indirect_dma source(%dma_start3A_21 : memref<100000x128xf32, #tpu.memory_space<hbm>>) target(%dma_start3A_16 : memref<256x128xf32, #tpu.memory_space<vmem>>) offsets(%dma_start3A_18 : memref<256xi32, #tpu.memory_space<vmem>>) semaphore(%arg8 : memref<!tpu.dma_semaphore, #tpu.memory_space<semaphore_mem>>)
    %dma_wait3A = arith.constant 0 : i32
    %dma_wait3A_22 = arith.constant 0 : i32
    %dma_wait3A_23 = arith.constant 0 : i32
    %dma_wait3A_24 = tpu.memref_slice %arg6[%dma_wait3A, %dma_wait3A_22, %dma_wait3A_23] : memref<2x256x128xf32, #tpu.memory_space<vmem>> -> memref<1x256x128xf32, #tpu.memory_space<vmem>>
    %dma_wait3A_25 = tpu.memref_squeeze %dma_wait3A_24 : memref<1x256x128xf32, #tpu.memory_space<vmem>> -> memref<256x128xf32, #tpu.memory_space<vmem>>
    %dma_wait3A_26 = arith.constant 0 : i32
    %dma_wait3A_27 = tpu.memref_slice %arg5[%dma_wait3A_26] : memref<512xi32, #tpu.memory_space<vmem>> -> memref<256xi32, #tpu.memory_space<vmem>>
    %dma_wait3A_28 = arith.constant 0 : i32
    %dma_wait3A_29 = arith.constant 0 : i32
    %dma_wait3A_30 = tpu.memref_slice %arg2[%dma_wait3A_28, %dma_wait3A_29] : memref<100000x128xf32, #tpu.memory_space<hbm>> -> memref<100000x128xf32, #tpu.memory_space<hbm>>
    tpu.wait_indirect_dma semaphore(%arg7 : memref<!tpu.dma_semaphore, #tpu.memory_space<semaphore_mem>>) src(%dma_wait3A_30 : memref<100000x128xf32, #tpu.memory_space<hbm>>) dst(%dma_wait3A_25 : memref<256x128xf32, #tpu.memory_space<vmem>>)
    %add3A_31 = arith.constant 0 : i32
    %add3A_32 = arith.addi %mul3A_2, %add3A_31 : i32
    %dma_start3A_33 = arith.constant 0 : i32
    %dma_start3A_34 = arith.constant 0 : i32
    %dma_start3A_35 = arith.constant 0 : i32
    %dma_start3A_36 = tpu.memref_slice %arg6[%dma_start3A_33, %dma_start3A_34, %dma_start3A_35] : memref<2x256x128xf32, #tpu.memory_space<vmem>> -> memref<1x256x128xf32, #tpu.memory_space<vmem>>
    %dma_start3A_37 = tpu.memref_squeeze %dma_start3A_36 : memref<1x256x128xf32, #tpu.memory_space<vmem>> -> memref<256x128xf32, #tpu.memory_space<vmem>>
    %dma_start3A_38 = arith.constant 0 : i32
    %dma_start3A_39 = tpu.memref_slice %arg4[%add3A_32, %dma_start3A_38] : memref<16384x128xf32, #tpu.memory_space<hbm>> -> memref<256x128xf32, #tpu.memory_space<hbm>>
    %dma_start3A_40 = arith.constant 0 : i32
    %dma_start3A_41 = tpu.memref_slice %arg4[%add3A_32, %dma_start3A_40] : memref<16384x128xf32, #tpu.memory_space<hbm>> -> memref<256x128xf32, #tpu.memory_space<hbm>>
    %dma_start3A_42 = arith.constant 0 : i32
    %dma_start3A_43 = arith.constant 0 : i32
    %dma_start3A_44 = tpu.memref_slice %arg6[%dma_start3A_33, %dma_start3A_42, %dma_start3A_43] : memref<2x256x128xf32, #tpu.memory_space<vmem>> -> memref<1x256x128xf32, #tpu.memory_space<vmem>>
    %dma_start3A_45 = tpu.memref_squeeze %dma_start3A_44 : memref<1x256x128xf32, #tpu.memory_space<vmem>> -> memref<256x128xf32, #tpu.memory_space<vmem>>
    tpu.enqueue_dma source(%dma_start3A_45 : memref<256x128xf32, #tpu.memory_space<vmem>>) target(%dma_start3A_41 : memref<256x128xf32, #tpu.memory_space<hbm>>) target_semaphore(%arg9 : memref<!tpu.dma_semaphore, #tpu.memory_space<semaphore_mem>>)
    %dma_wait3A_46 = arith.constant 1 : i32
    %dma_wait3A_47 = arith.constant 0 : i32
    %dma_wait3A_48 = arith.constant 0 : i32
    %dma_wait3A_49 = tpu.memref_slice %arg6[%dma_wait3A_46, %dma_wait3A_47, %dma_wait3A_48] : memref<2x256x128xf32, #tpu.memory_space<vmem>> -> memref<1x256x128xf32, #tpu.memory_space<vmem>>
    %dma_wait3A_50 = tpu.memref_squeeze %dma_wait3A_49 : memref<1x256x128xf32, #tpu.memory_space<vmem>> -> memref<256x128xf32, #tpu.memory_space<vmem>>
    %dma_wait3A_51 = arith.constant 256 : i32
    %dma_wait3A_52 = tpu.memref_slice %arg5[%dma_wait3A_51] : memref<512xi32, #tpu.memory_space<vmem>> -> memref<256xi32, #tpu.memory_space<vmem>>
    %dma_wait3A_53 = arith.constant 0 : i32
    %dma_wait3A_54 = arith.constant 0 : i32
    %dma_wait3A_55 = tpu.memref_slice %arg2[%dma_wait3A_53, %dma_wait3A_54] : memref<100000x128xf32, #tpu.memory_space<hbm>> -> memref<100000x128xf32, #tpu.memory_space<hbm>>
    tpu.wait_indirect_dma semaphore(%arg8 : memref<!tpu.dma_semaphore, #tpu.memory_space<semaphore_mem>>) src(%dma_wait3A_55 : memref<100000x128xf32, #tpu.memory_space<hbm>>) dst(%dma_wait3A_50 : memref<256x128xf32, #tpu.memory_space<vmem>>)
    %add3A_56 = arith.constant 256 : i32
    %add3A_57 = arith.addi %mul3A_2, %add3A_56 : i32
    %dma_start3A_58 = arith.constant 1 : i32
    %dma_start3A_59 = arith.constant 0 : i32
    %dma_start3A_60 = arith.constant 0 : i32
    %dma_start3A_61 = tpu.memref_slice %arg6[%dma_start3A_58, %dma_start3A_59, %dma_start3A_60] : memref<2x256x128xf32, #tpu.memory_space<vmem>> -> memref<1x256x128xf32, #tpu.memory_space<vmem>>
    %dma_start3A_62 = tpu.memref_squeeze %dma_start3A_61 : memref<1x256x128xf32, #tpu.memory_space<vmem>> -> memref<256x128xf32, #tpu.memory_space<vmem>>
    %dma_start3A_63 = arith.constant 0 : i32
    %dma_start3A_64 = tpu.memref_slice %arg4[%add3A_57, %dma_start3A_63] : memref<16384x128xf32, #tpu.memory_space<hbm>> -> memref<256x128xf32, #tpu.memory_space<hbm>>
    %dma_start3A_65 = arith.constant 0 : i32
    %dma_start3A_66 = tpu.memref_slice %arg4[%add3A_57, %dma_start3A_65] : memref<16384x128xf32, #tpu.memory_space<hbm>> -> memref<256x128xf32, #tpu.memory_space<hbm>>
    %dma_start3A_67 = arith.constant 0 : i32
    %dma_start3A_68 = arith.constant 0 : i32
    %dma_start3A_69 = tpu.memref_slice %arg6[%dma_start3A_58, %dma_start3A_67, %dma_start3A_68] : memref<2x256x128xf32, #tpu.memory_space<vmem>> -> memref<1x256x128xf32, #tpu.memory_space<vmem>>
    %dma_start3A_70 = tpu.memref_squeeze %dma_start3A_69 : memref<1x256x128xf32, #tpu.memory_space<vmem>> -> memref<256x128xf32, #tpu.memory_space<vmem>>
    tpu.enqueue_dma source(%dma_start3A_70 : memref<256x128xf32, #tpu.memory_space<vmem>>) target(%dma_start3A_66 : memref<256x128xf32, #tpu.memory_space<hbm>>) target_semaphore(%arg10 : memref<!tpu.dma_semaphore, #tpu.memory_space<semaphore_mem>>)
    %dma_wait3A_71 = arith.constant 0 : i32
    %dma_wait3A_72 = arith.constant 0 : i32
    %dma_wait3A_73 = arith.constant 0 : i32
    %dma_wait3A_74 = tpu.memref_slice %arg6[%dma_wait3A_71, %dma_wait3A_72, %dma_wait3A_73] : memref<2x256x128xf32, #tpu.memory_space<vmem>> -> memref<1x256x128xf32, #tpu.memory_space<vmem>>
    %dma_wait3A_75 = tpu.memref_squeeze %dma_wait3A_74 : memref<1x256x128xf32, #tpu.memory_space<vmem>> -> memref<256x128xf32, #tpu.memory_space<vmem>>
    %dma_wait3A_76 = arith.constant 0 : i32
    %dma_wait3A_77 = tpu.memref_slice %arg4[%add3A_32, %dma_wait3A_76] : memref<16384x128xf32, #tpu.memory_space<hbm>> -> memref<256x128xf32, #tpu.memory_space<hbm>>
    %dma_wait3A_78 = arith.constant 0 : i32
    %dma_wait3A_79 = tpu.memref_slice %arg4[%add3A_32, %dma_wait3A_78] : memref<16384x128xf32, #tpu.memory_space<hbm>> -> memref<256x128xf32, #tpu.memory_space<hbm>>
    %dma_wait3A_80 = arith.constant 0 : i32
    %dma_wait3A_81 = arith.constant 0 : i32
    %dma_wait3A_82 = tpu.memref_slice %arg6[%dma_wait3A_71, %dma_wait3A_80, %dma_wait3A_81] : memref<2x256x128xf32, #tpu.memory_space<vmem>> -> memref<1x256x128xf32, #tpu.memory_space<vmem>>
    %dma_wait3A_83 = tpu.memref_squeeze %dma_wait3A_82 : memref<1x256x128xf32, #tpu.memory_space<vmem>> -> memref<256x128xf32, #tpu.memory_space<vmem>>
    tpu.wait_dma2 semaphore(%arg9 : memref<!tpu.dma_semaphore, #tpu.memory_space<semaphore_mem>>) src(%dma_wait3A_83 : memref<256x128xf32, #tpu.memory_space<vmem>>) dst(%dma_wait3A_79 : memref<256x128xf32, #tpu.memory_space<hbm>>)
    %dma_wait3A_84 = arith.constant 1 : i32
    %dma_wait3A_85 = arith.constant 0 : i32
    %dma_wait3A_86 = arith.constant 0 : i32
    %dma_wait3A_87 = tpu.memref_slice %arg6[%dma_wait3A_84, %dma_wait3A_85, %dma_wait3A_86] : memref<2x256x128xf32, #tpu.memory_space<vmem>> -> memref<1x256x128xf32, #tpu.memory_space<vmem>>
    %dma_wait3A_88 = tpu.memref_squeeze %dma_wait3A_87 : memref<1x256x128xf32, #tpu.memory_space<vmem>> -> memref<256x128xf32, #tpu.memory_space<vmem>>
    %dma_wait3A_89 = arith.constant 0 : i32
    %dma_wait3A_90 = tpu.memref_slice %arg4[%add3A_57, %dma_wait3A_89] : memref<16384x128xf32, #tpu.memory_space<hbm>> -> memref<256x128xf32, #tpu.memory_space<hbm>>
    %dma_wait3A_91 = arith.constant 0 : i32
    %dma_wait3A_92 = tpu.memref_slice %arg4[%add3A_57, %dma_wait3A_91] : memref<16384x128xf32, #tpu.memory_space<hbm>> -> memref<256x128xf32, #tpu.memory_space<hbm>>
    %dma_wait3A_93 = arith.constant 0 : i32
    %dma_wait3A_94 = arith.constant 0 : i32
    %dma_wait3A_95 = tpu.memref_slice %arg6[%dma_wait3A_84, %dma_wait3A_93, %dma_wait3A_94] : memref<2x256x128xf32, #tpu.memory_space<vmem>> -> memref<1x256x128xf32, #tpu.memory_space<vmem>>
    %dma_wait3A_96 = tpu.memref_squeeze %dma_wait3A_95 : memref<1x256x128xf32, #tpu.memory_space<vmem>> -> memref<256x128xf32, #tpu.memory_space<vmem>>
    tpu.wait_dma2 semaphore(%arg10 : memref<!tpu.dma_semaphore, #tpu.memory_space<semaphore_mem>>) src(%dma_wait3A_96 : memref<256x128xf32, #tpu.memory_space<vmem>>) dst(%dma_wait3A_92 : memref<256x128xf32, #tpu.memory_space<hbm>>)
    return
  }
}

module attributes {stable_mosaic.version = 14 : i64} {
  func.func @body(%arg0: memref<16x1024x128xf32, #tpu.memory_space<vmem>>, %arg1: memref<1024x384xf32, #tpu.memory_space<vmem>>, %arg2: memref<512x768xbf16, #tpu.memory_space<vmem>>, %arg3: memref<128x384xbf16, #tpu.memory_space<vmem>>, %arg4: memref<384x384xbf16, #tpu.memory_space<vmem>>, %arg5: memref<1x768xf32, #tpu.memory_space<vmem>>, %arg6: memref<1x384xf32, #tpu.memory_space<vmem>>, %arg7: memref<1x384xf32, #tpu.memory_space<vmem>>, %arg8: memref<384x1024xf32, #tpu.memory_space<vmem>>, %arg9: memref<1x1024xf32, #tpu.memory_space<vmem>>, %arg10: memref<1024x1024xf32, #tpu.memory_space<vmem>>) attributes {dimension_semantics = [], scalar_prefetch = 0 : i64, scratch_operands = 0 : i64, tpu.core_type = #tpu.core_type<tc>} {
    %get3A = arith.constant 0 : index
    %get3A_0 = arith.constant 0 : index
    %get3A_1 = vector.load %arg2[%get3A, %get3A_0] : memref<512x768xbf16, #tpu.memory_space<vmem>>, vector<512x768xbf16>
    %get3A_2 = arith.constant 0 : index
    %get3A_3 = arith.constant 0 : index
    %get3A_4 = vector.load %arg3[%get3A_2, %get3A_3] : memref<128x384xbf16, #tpu.memory_space<vmem>>, vector<128x384xbf16>
    %get3A_5 = arith.constant 0 : index
    %get3A_6 = arith.constant 0 : index
    %get3A_7 = vector.load %arg4[%get3A_5, %get3A_6] : memref<384x384xbf16, #tpu.memory_space<vmem>>, vector<384x384xbf16>
    %get3A_8 = arith.constant 0 : index
    %get3A_9 = arith.constant 0 : index
    %get3A_10 = vector.load %arg5[%get3A_8, %get3A_9] : memref<1x768xf32, #tpu.memory_space<vmem>>, vector<1x768xf32>
    %get3A_11 = arith.constant 0 : index
    %get3A_12 = arith.constant 0 : index
    %get3A_13 = vector.load %arg6[%get3A_11, %get3A_12] : memref<1x384xf32, #tpu.memory_space<vmem>>, vector<1x384xf32>
    %get3A_14 = arith.constant 0 : index
    %get3A_15 = arith.constant 0 : index
    %get3A_16 = vector.load %arg7[%get3A_14, %get3A_15] : memref<1x384xf32, #tpu.memory_space<vmem>>, vector<1x384xf32>
    %get3A_17 = arith.constant 0 : index
    %get3A_18 = arith.constant 0 : index
    %get3A_19 = vector.load %arg1[%get3A_17, %get3A_18] : memref<1024x384xf32, #tpu.memory_space<vmem>>, vector<1024x384xf32>
    %scan3A = arith.constant 0 : i32
    %scan3A_20 = arith.constant 16 : i32
    %scan3A_21 = arith.addi %scan3A, %scan3A_20 : i32
    %scan3A_22 = arith.constant 2 : i32
    %scan3A_23 = scf.for %scan3A_35 = %scan3A to %scan3A_21 step %scan3A_22 iter_args(%scan3A_36 = %get3A_19) -> (vector<1024x384xf32>)  : i32 {
      %get3A_37 = arith.index_cast %scan3A_35 : i32 to index
      %get3A_38 = arith.constant 0 : index
      %get3A_39 = arith.constant 0 : index
      %get3A_40 = vector.load %arg0[%get3A_37, %get3A_38, %get3A_39] : memref<16x1024x128xf32, #tpu.memory_space<vmem>>, vector<1x1024x128xf32>
      %get3A_41 = vector.shape_cast %get3A_40 : vector<1x1024x128xf32> to vector<1024x128xf32>
      %convert_element_type3A = arith.truncf %get3A_41 : vector<1024x128xf32> to vector<1024x128xbf16>
      %convert_element_type3A_42 = arith.truncf %scan3A_36 : vector<1024x384xf32> to vector<1024x384xbf16>
      %concatenate3A = tpu.concatenate %convert_element_type3A, %convert_element_type3A_42 in 1 : vector<1024x128xbf16>, vector<1024x384xbf16> -> vector<1024x512xbf16>
      %dot_general3A_43 = arith.constant dense<0.000000e+00> : vector<1024x768xf32>
      %dot_general3A_44 = tpu.matmul %concatenate3A, %get3A_1, %dot_general3A_43 {dimension_numbers = #tpu.dot_dimension_numbers<[1], [0], [0], [1], [0, 0, 1, 1], [], []>, transpose_lhs_hint = false} : vector<1024x512xbf16>, vector<512x768xbf16>, vector<1024x768xf32> -> vector<1024x768xf32>
      %dot_general3A_45 = arith.constant dense<0.000000e+00> : vector<1024x384xf32>
      %dot_general3A_46 = tpu.matmul %convert_element_type3A, %get3A_4, %dot_general3A_45 {dimension_numbers = #tpu.dot_dimension_numbers<[1], [0], [0], [1], [0, 0, 1, 1], [], []>, transpose_lhs_hint = false} : vector<1024x128xbf16>, vector<128x384xbf16>, vector<1024x384xf32> -> vector<1024x384xf32>
      %dot_general3A_47 = arith.constant dense<0.000000e+00> : vector<1024x384xf32>
      %dot_general3A_48 = tpu.matmul %convert_element_type3A_42, %get3A_7, %dot_general3A_47 {dimension_numbers = #tpu.dot_dimension_numbers<[1], [0], [0], [1], [0, 0, 1, 1], [], []>, transpose_lhs_hint = false} : vector<1024x384xbf16>, vector<384x384xbf16>, vector<1024x384xf32> -> vector<1024x384xf32>
      %slice3A = vector.extract_strided_slice %dot_general3A_44 {offsets = [0, 0], sizes = [1024, 384], strides = [1, 1]} : vector<1024x768xf32> to vector<1024x384xf32>
      %slice3A_49 = vector.extract_strided_slice %get3A_10 {offsets = [0, 0], sizes = [1, 384], strides = [1, 1]} : vector<1x768xf32> to vector<1x384xf32>
      %add3A_50 = vector.broadcast %slice3A_49 : vector<1x384xf32> to vector<1024x384xf32>
      %add3A_51 = arith.addf %slice3A, %add3A_50 : vector<1024x384xf32>
      %logistic3A = arith.negf %add3A_51 : vector<1024x384xf32>
      %logistic3A_52 = math.exp %logistic3A : vector<1024x384xf32>
      %logistic3A_53 = arith.constant 1.000000e+00 : f32
      %logistic3A_54 = vector.broadcast %logistic3A_53 : f32 to vector<1024x384xf32>
      %logistic3A_55 = arith.addf %logistic3A_54, %logistic3A_52 : vector<1024x384xf32>
      %logistic3A_56 = arith.divf %logistic3A_54, %logistic3A_55 : vector<1024x384xf32>
      %slice3A_57 = vector.extract_strided_slice %dot_general3A_44 {offsets = [0, 384], sizes = [1024, 384], strides = [1, 1]} : vector<1024x768xf32> to vector<1024x384xf32>
      %slice3A_58 = vector.extract_strided_slice %get3A_10 {offsets = [0, 384], sizes = [1, 384], strides = [1, 1]} : vector<1x768xf32> to vector<1x384xf32>
      %add3A_59 = vector.broadcast %slice3A_58 : vector<1x384xf32> to vector<1024x384xf32>
      %add3A_60 = arith.addf %slice3A_57, %add3A_59 : vector<1024x384xf32>
      %logistic3A_61 = arith.negf %add3A_60 : vector<1024x384xf32>
      %logistic3A_62 = math.exp %logistic3A_61 : vector<1024x384xf32>
      %logistic3A_63 = arith.constant 1.000000e+00 : f32
      %logistic3A_64 = vector.broadcast %logistic3A_63 : f32 to vector<1024x384xf32>
      %logistic3A_65 = arith.addf %logistic3A_64, %logistic3A_62 : vector<1024x384xf32>
      %logistic3A_66 = arith.divf %logistic3A_64, %logistic3A_65 : vector<1024x384xf32>
      %add3A_67 = vector.broadcast %get3A_13 : vector<1x384xf32> to vector<1024x384xf32>
      %add3A_68 = arith.addf %dot_general3A_46, %add3A_67 : vector<1024x384xf32>
      %add3A_69 = vector.broadcast %get3A_16 : vector<1x384xf32> to vector<1024x384xf32>
      %add3A_70 = arith.addf %dot_general3A_48, %add3A_69 : vector<1024x384xf32>
      %mul3A = arith.mulf %logistic3A_56, %add3A_70 : vector<1024x384xf32>
      %add3A_71 = arith.addf %add3A_68, %mul3A : vector<1024x384xf32>
      %tanh3A = math.tanh %add3A_71 : vector<1024x384xf32>
      %sub3A = arith.constant 1.000000e+00 : f32
      %sub3A_72 = vector.broadcast %sub3A : f32 to vector<1024x384xf32>
      %sub3A_73 = arith.subf %sub3A_72, %logistic3A_66 : vector<1024x384xf32>
      %mul3A_74 = arith.mulf %sub3A_73, %tanh3A : vector<1024x384xf32>
      %mul3A_75 = arith.mulf %logistic3A_66, %scan3A_36 : vector<1024x384xf32>
      %add3A_76 = arith.addf %mul3A_74, %mul3A_75 : vector<1024x384xf32>
      %scan3A_77 = arith.constant 1 : i32
      %scan3A_78 = arith.addi %scan3A_35, %scan3A_77 : i32
      %get3A_79 = arith.index_cast %scan3A_78 : i32 to index
      %get3A_80 = arith.constant 0 : index
      %get3A_81 = arith.constant 0 : index
      %get3A_82 = vector.load %arg0[%get3A_79, %get3A_80, %get3A_81] : memref<16x1024x128xf32, #tpu.memory_space<vmem>>, vector<1x1024x128xf32>
      %get3A_83 = vector.shape_cast %get3A_82 : vector<1x1024x128xf32> to vector<1024x128xf32>
      %convert_element_type3A_84 = arith.truncf %get3A_83 : vector<1024x128xf32> to vector<1024x128xbf16>
      %convert_element_type3A_85 = arith.truncf %add3A_76 : vector<1024x384xf32> to vector<1024x384xbf16>
      %concatenate3A_86 = tpu.concatenate %convert_element_type3A_84, %convert_element_type3A_85 in 1 : vector<1024x128xbf16>, vector<1024x384xbf16> -> vector<1024x512xbf16>
      %dot_general3A_87 = arith.constant dense<0.000000e+00> : vector<1024x768xf32>
      %dot_general3A_88 = tpu.matmul %concatenate3A_86, %get3A_1, %dot_general3A_87 {dimension_numbers = #tpu.dot_dimension_numbers<[1], [0], [0], [1], [0, 0, 1, 1], [], []>, transpose_lhs_hint = false} : vector<1024x512xbf16>, vector<512x768xbf16>, vector<1024x768xf32> -> vector<1024x768xf32>
      %dot_general3A_89 = arith.constant dense<0.000000e+00> : vector<1024x384xf32>
      %dot_general3A_90 = tpu.matmul %convert_element_type3A_84, %get3A_4, %dot_general3A_89 {dimension_numbers = #tpu.dot_dimension_numbers<[1], [0], [0], [1], [0, 0, 1, 1], [], []>, transpose_lhs_hint = false} : vector<1024x128xbf16>, vector<128x384xbf16>, vector<1024x384xf32> -> vector<1024x384xf32>
      %dot_general3A_91 = arith.constant dense<0.000000e+00> : vector<1024x384xf32>
      %dot_general3A_92 = tpu.matmul %convert_element_type3A_85, %get3A_7, %dot_general3A_91 {dimension_numbers = #tpu.dot_dimension_numbers<[1], [0], [0], [1], [0, 0, 1, 1], [], []>, transpose_lhs_hint = false} : vector<1024x384xbf16>, vector<384x384xbf16>, vector<1024x384xf32> -> vector<1024x384xf32>
      %slice3A_93 = vector.extract_strided_slice %dot_general3A_88 {offsets = [0, 0], sizes = [1024, 384], strides = [1, 1]} : vector<1024x768xf32> to vector<1024x384xf32>
      %slice3A_94 = vector.extract_strided_slice %get3A_10 {offsets = [0, 0], sizes = [1, 384], strides = [1, 1]} : vector<1x768xf32> to vector<1x384xf32>
      %add3A_95 = vector.broadcast %slice3A_94 : vector<1x384xf32> to vector<1024x384xf32>
      %add3A_96 = arith.addf %slice3A_93, %add3A_95 : vector<1024x384xf32>
      %logistic3A_97 = arith.negf %add3A_96 : vector<1024x384xf32>
      %logistic3A_98 = math.exp %logistic3A_97 : vector<1024x384xf32>
      %logistic3A_99 = arith.constant 1.000000e+00 : f32
      %logistic3A_100 = vector.broadcast %logistic3A_99 : f32 to vector<1024x384xf32>
      %logistic3A_101 = arith.addf %logistic3A_100, %logistic3A_98 : vector<1024x384xf32>
      %logistic3A_102 = arith.divf %logistic3A_100, %logistic3A_101 : vector<1024x384xf32>
      %slice3A_103 = vector.extract_strided_slice %dot_general3A_88 {offsets = [0, 384], sizes = [1024, 384], strides = [1, 1]} : vector<1024x768xf32> to vector<1024x384xf32>
      %slice3A_104 = vector.extract_strided_slice %get3A_10 {offsets = [0, 384], sizes = [1, 384], strides = [1, 1]} : vector<1x768xf32> to vector<1x384xf32>
      %add3A_105 = vector.broadcast %slice3A_104 : vector<1x384xf32> to vector<1024x384xf32>
      %add3A_106 = arith.addf %slice3A_103, %add3A_105 : vector<1024x384xf32>
      %logistic3A_107 = arith.negf %add3A_106 : vector<1024x384xf32>
      %logistic3A_108 = math.exp %logistic3A_107 : vector<1024x384xf32>
      %logistic3A_109 = arith.constant 1.000000e+00 : f32
      %logistic3A_110 = vector.broadcast %logistic3A_109 : f32 to vector<1024x384xf32>
      %logistic3A_111 = arith.addf %logistic3A_110, %logistic3A_108 : vector<1024x384xf32>
      %logistic3A_112 = arith.divf %logistic3A_110, %logistic3A_111 : vector<1024x384xf32>
      %add3A_113 = vector.broadcast %get3A_13 : vector<1x384xf32> to vector<1024x384xf32>
      %add3A_114 = arith.addf %dot_general3A_90, %add3A_113 : vector<1024x384xf32>
      %add3A_115 = vector.broadcast %get3A_16 : vector<1x384xf32> to vector<1024x384xf32>
      %add3A_116 = arith.addf %dot_general3A_92, %add3A_115 : vector<1024x384xf32>
      %mul3A_117 = arith.mulf %logistic3A_102, %add3A_116 : vector<1024x384xf32>
      %add3A_118 = arith.addf %add3A_114, %mul3A_117 : vector<1024x384xf32>
      %tanh3A_119 = math.tanh %add3A_118 : vector<1024x384xf32>
      %sub3A_120 = arith.constant 1.000000e+00 : f32
      %sub3A_121 = vector.broadcast %sub3A_120 : f32 to vector<1024x384xf32>
      %sub3A_122 = arith.subf %sub3A_121, %logistic3A_112 : vector<1024x384xf32>
      %mul3A_123 = arith.mulf %sub3A_122, %tanh3A_119 : vector<1024x384xf32>
      %mul3A_124 = arith.mulf %logistic3A_112, %add3A_76 : vector<1024x384xf32>
      %add3A_125 = arith.addf %mul3A_123, %mul3A_124 : vector<1024x384xf32>
      scf.yield %add3A_125 : vector<1024x384xf32>
    }
    %scan3A_24 = arith.constant 16 : i32
    %get3A_25 = arith.constant 0 : index
    %get3A_26 = arith.constant 0 : index
    %get3A_27 = vector.load %arg8[%get3A_25, %get3A_26] : memref<384x1024xf32, #tpu.memory_space<vmem>>, vector<384x1024xf32>
    %dot_general3A = arith.constant dense<0.000000e+00> : vector<1024x1024xf32>
    %dot_general3A_28 = tpu.matmul %scan3A_23, %get3A_27, %dot_general3A {dimension_numbers = #tpu.dot_dimension_numbers<[1], [0], [0], [1], [0, 0, 1, 1], [], []>, transpose_lhs_hint = false} : vector<1024x384xf32>, vector<384x1024xf32>, vector<1024x1024xf32> -> vector<1024x1024xf32>
    %get3A_29 = arith.constant 0 : index
    %get3A_30 = arith.constant 0 : index
    %get3A_31 = vector.load %arg9[%get3A_29, %get3A_30] : memref<1x1024xf32, #tpu.memory_space<vmem>>, vector<1x1024xf32>
    %add3A = vector.broadcast %get3A_31 : vector<1x1024xf32> to vector<1024x1024xf32>
    %add3A_32 = arith.addf %dot_general3A_28, %add3A : vector<1024x1024xf32>
    %swap3A = arith.constant 0 : index
    %swap3A_33 = arith.constant 0 : index
    %swap3A_34 = vector.load %arg10[%swap3A, %swap3A_33] : memref<1024x1024xf32, #tpu.memory_space<vmem>>, vector<1024x1024xf32>
    tpu.vector_store %arg10[%swap3A, %swap3A_33], %add3A_32 {strides = array<i32>} : memref<1024x1024xf32, #tpu.memory_space<vmem>>, vector<1024x1024xf32>,
    return
  }
}

module attributes {stable_mosaic.version = 14 : i64} {
  func.func @body(%arg0: memref<16x1024x128xf32, #tpu.memory_space<vmem>>, %arg1: memref<1024x384xf32, #tpu.memory_space<vmem>>, %arg2: memref<512x768xbf16, #tpu.memory_space<vmem>>, %arg3: memref<128x384xbf16, #tpu.memory_space<vmem>>, %arg4: memref<384x384xbf16, #tpu.memory_space<vmem>>, %arg5: memref<1x768xf32, #tpu.memory_space<vmem>>, %arg6: memref<1x384xf32, #tpu.memory_space<vmem>>, %arg7: memref<1x384xf32, #tpu.memory_space<vmem>>, %arg8: memref<384x1024xf32, #tpu.memory_space<vmem>>, %arg9: memref<1x1024xf32, #tpu.memory_space<vmem>>, %arg10: memref<1024x384xf32, #tpu.memory_space<vmem>>) attributes {dimension_semantics = [], scalar_prefetch = 0 : i64, scratch_operands = 0 : i64, tpu.core_type = #tpu.core_type<tc>} {
    %get3A = arith.constant 0 : index
    %get3A_0 = arith.constant 0 : index
    %get3A_1 = vector.load %arg2[%get3A, %get3A_0] : memref<512x768xbf16, #tpu.memory_space<vmem>>, vector<512x768xbf16>
    %get3A_2 = arith.constant 0 : index
    %get3A_3 = arith.constant 0 : index
    %get3A_4 = vector.load %arg3[%get3A_2, %get3A_3] : memref<128x384xbf16, #tpu.memory_space<vmem>>, vector<128x384xbf16>
    %get3A_5 = arith.constant 0 : index
    %get3A_6 = arith.constant 0 : index
    %get3A_7 = vector.load %arg4[%get3A_5, %get3A_6] : memref<384x384xbf16, #tpu.memory_space<vmem>>, vector<384x384xbf16>
    %get3A_8 = arith.constant 0 : index
    %get3A_9 = arith.constant 0 : index
    %get3A_10 = vector.load %arg5[%get3A_8, %get3A_9] : memref<1x768xf32, #tpu.memory_space<vmem>>, vector<1x768xf32>
    %get3A_11 = arith.constant 0 : index
    %get3A_12 = arith.constant 0 : index
    %get3A_13 = vector.load %arg6[%get3A_11, %get3A_12] : memref<1x384xf32, #tpu.memory_space<vmem>>, vector<1x384xf32>
    %get3A_14 = arith.constant 0 : index
    %get3A_15 = arith.constant 0 : index
    %get3A_16 = vector.load %arg7[%get3A_14, %get3A_15] : memref<1x384xf32, #tpu.memory_space<vmem>>, vector<1x384xf32>
    %get3A_17 = arith.constant 0 : index
    %get3A_18 = arith.constant 0 : index
    %get3A_19 = vector.load %arg1[%get3A_17, %get3A_18] : memref<1024x384xf32, #tpu.memory_space<vmem>>, vector<1024x384xf32>
    %scan3A = arith.constant 0 : i32
    %scan3A_20 = arith.constant 16 : i32
    %scan3A_21 = arith.addi %scan3A, %scan3A_20 : i32
    %scan3A_22 = arith.constant 2 : i32
    %scan3A_23 = scf.for %scan3A_27 = %scan3A to %scan3A_21 step %scan3A_22 iter_args(%scan3A_28 = %get3A_19) -> (vector<1024x384xf32>)  : i32 {
      %get3A_29 = arith.index_cast %scan3A_27 : i32 to index
      %get3A_30 = arith.constant 0 : index
      %get3A_31 = arith.constant 0 : index
      %get3A_32 = vector.load %arg0[%get3A_29, %get3A_30, %get3A_31] : memref<16x1024x128xf32, #tpu.memory_space<vmem>>, vector<1x1024x128xf32>
      %get3A_33 = vector.shape_cast %get3A_32 : vector<1x1024x128xf32> to vector<1024x128xf32>
      %convert_element_type3A = arith.truncf %get3A_33 : vector<1024x128xf32> to vector<1024x128xbf16>
      %convert_element_type3A_34 = arith.truncf %scan3A_28 : vector<1024x384xf32> to vector<1024x384xbf16>
      %concatenate3A = tpu.concatenate %convert_element_type3A, %convert_element_type3A_34 in 1 : vector<1024x128xbf16>, vector<1024x384xbf16> -> vector<1024x512xbf16>
      %dot_general3A = arith.constant dense<0.000000e+00> : vector<1024x768xf32>
      %dot_general3A_35 = tpu.matmul %concatenate3A, %get3A_1, %dot_general3A {dimension_numbers = #tpu.dot_dimension_numbers<[1], [0], [0], [1], [0, 0, 1, 1], [], []>, transpose_lhs_hint = false} : vector<1024x512xbf16>, vector<512x768xbf16>, vector<1024x768xf32> -> vector<1024x768xf32>
      %dot_general3A_36 = arith.constant dense<0.000000e+00> : vector<1024x384xf32>
      %dot_general3A_37 = tpu.matmul %convert_element_type3A, %get3A_4, %dot_general3A_36 {dimension_numbers = #tpu.dot_dimension_numbers<[1], [0], [0], [1], [0, 0, 1, 1], [], []>, transpose_lhs_hint = false} : vector<1024x128xbf16>, vector<128x384xbf16>, vector<1024x384xf32> -> vector<1024x384xf32>
      %dot_general3A_38 = arith.constant dense<0.000000e+00> : vector<1024x384xf32>
      %dot_general3A_39 = tpu.matmul %convert_element_type3A_34, %get3A_7, %dot_general3A_38 {dimension_numbers = #tpu.dot_dimension_numbers<[1], [0], [0], [1], [0, 0, 1, 1], [], []>, transpose_lhs_hint = false} : vector<1024x384xbf16>, vector<384x384xbf16>, vector<1024x384xf32> -> vector<1024x384xf32>
      %slice3A = vector.extract_strided_slice %dot_general3A_35 {offsets = [0, 0], sizes = [1024, 384], strides = [1, 1]} : vector<1024x768xf32> to vector<1024x384xf32>
      %slice3A_40 = vector.extract_strided_slice %get3A_10 {offsets = [0, 0], sizes = [1, 384], strides = [1, 1]} : vector<1x768xf32> to vector<1x384xf32>
      %add3A = vector.broadcast %slice3A_40 : vector<1x384xf32> to vector<1024x384xf32>
      %add3A_41 = arith.addf %slice3A, %add3A : vector<1024x384xf32>
      %logistic3A = arith.negf %add3A_41 : vector<1024x384xf32>
      %logistic3A_42 = math.exp %logistic3A : vector<1024x384xf32>
      %logistic3A_43 = arith.constant 1.000000e+00 : f32
      %logistic3A_44 = vector.broadcast %logistic3A_43 : f32 to vector<1024x384xf32>
      %logistic3A_45 = arith.addf %logistic3A_44, %logistic3A_42 : vector<1024x384xf32>
      %logistic3A_46 = arith.divf %logistic3A_44, %logistic3A_45 : vector<1024x384xf32>
      %slice3A_47 = vector.extract_strided_slice %dot_general3A_35 {offsets = [0, 384], sizes = [1024, 384], strides = [1, 1]} : vector<1024x768xf32> to vector<1024x384xf32>
      %slice3A_48 = vector.extract_strided_slice %get3A_10 {offsets = [0, 384], sizes = [1, 384], strides = [1, 1]} : vector<1x768xf32> to vector<1x384xf32>
      %add3A_49 = vector.broadcast %slice3A_48 : vector<1x384xf32> to vector<1024x384xf32>
      %add3A_50 = arith.addf %slice3A_47, %add3A_49 : vector<1024x384xf32>
      %logistic3A_51 = arith.negf %add3A_50 : vector<1024x384xf32>
      %logistic3A_52 = math.exp %logistic3A_51 : vector<1024x384xf32>
      %logistic3A_53 = arith.constant 1.000000e+00 : f32
      %logistic3A_54 = vector.broadcast %logistic3A_53 : f32 to vector<1024x384xf32>
      %logistic3A_55 = arith.addf %logistic3A_54, %logistic3A_52 : vector<1024x384xf32>
      %logistic3A_56 = arith.divf %logistic3A_54, %logistic3A_55 : vector<1024x384xf32>
      %add3A_57 = vector.broadcast %get3A_13 : vector<1x384xf32> to vector<1024x384xf32>
      %add3A_58 = arith.addf %dot_general3A_37, %add3A_57 : vector<1024x384xf32>
      %add3A_59 = vector.broadcast %get3A_16 : vector<1x384xf32> to vector<1024x384xf32>
      %add3A_60 = arith.addf %dot_general3A_39, %add3A_59 : vector<1024x384xf32>
      %mul3A = arith.mulf %logistic3A_46, %add3A_60 : vector<1024x384xf32>
      %add3A_61 = arith.addf %add3A_58, %mul3A : vector<1024x384xf32>
      %tanh3A = math.tanh %add3A_61 : vector<1024x384xf32>
      %sub3A = arith.constant 1.000000e+00 : f32
      %sub3A_62 = vector.broadcast %sub3A : f32 to vector<1024x384xf32>
      %sub3A_63 = arith.subf %sub3A_62, %logistic3A_56 : vector<1024x384xf32>
      %mul3A_64 = arith.mulf %sub3A_63, %tanh3A : vector<1024x384xf32>
      %mul3A_65 = arith.mulf %logistic3A_56, %scan3A_28 : vector<1024x384xf32>
      %add3A_66 = arith.addf %mul3A_64, %mul3A_65 : vector<1024x384xf32>
      %scan3A_67 = arith.constant 1 : i32
      %scan3A_68 = arith.addi %scan3A_27, %scan3A_67 : i32
      %get3A_69 = arith.index_cast %scan3A_68 : i32 to index
      %get3A_70 = arith.constant 0 : index
      %get3A_71 = arith.constant 0 : index
      %get3A_72 = vector.load %arg0[%get3A_69, %get3A_70, %get3A_71] : memref<16x1024x128xf32, #tpu.memory_space<vmem>>, vector<1x1024x128xf32>
      %get3A_73 = vector.shape_cast %get3A_72 : vector<1x1024x128xf32> to vector<1024x128xf32>
      %convert_element_type3A_74 = arith.truncf %get3A_73 : vector<1024x128xf32> to vector<1024x128xbf16>
      %convert_element_type3A_75 = arith.truncf %add3A_66 : vector<1024x384xf32> to vector<1024x384xbf16>
      %concatenate3A_76 = tpu.concatenate %convert_element_type3A_74, %convert_element_type3A_75 in 1 : vector<1024x128xbf16>, vector<1024x384xbf16> -> vector<1024x512xbf16>
      %dot_general3A_77 = arith.constant dense<0.000000e+00> : vector<1024x768xf32>
      %dot_general3A_78 = tpu.matmul %concatenate3A_76, %get3A_1, %dot_general3A_77 {dimension_numbers = #tpu.dot_dimension_numbers<[1], [0], [0], [1], [0, 0, 1, 1], [], []>, transpose_lhs_hint = false} : vector<1024x512xbf16>, vector<512x768xbf16>, vector<1024x768xf32> -> vector<1024x768xf32>
      %dot_general3A_79 = arith.constant dense<0.000000e+00> : vector<1024x384xf32>
      %dot_general3A_80 = tpu.matmul %convert_element_type3A_74, %get3A_4, %dot_general3A_79 {dimension_numbers = #tpu.dot_dimension_numbers<[1], [0], [0], [1], [0, 0, 1, 1], [], []>, transpose_lhs_hint = false} : vector<1024x128xbf16>, vector<128x384xbf16>, vector<1024x384xf32> -> vector<1024x384xf32>
      %dot_general3A_81 = arith.constant dense<0.000000e+00> : vector<1024x384xf32>
      %dot_general3A_82 = tpu.matmul %convert_element_type3A_75, %get3A_7, %dot_general3A_81 {dimension_numbers = #tpu.dot_dimension_numbers<[1], [0], [0], [1], [0, 0, 1, 1], [], []>, transpose_lhs_hint = false} : vector<1024x384xbf16>, vector<384x384xbf16>, vector<1024x384xf32> -> vector<1024x384xf32>
      %slice3A_83 = vector.extract_strided_slice %dot_general3A_78 {offsets = [0, 0], sizes = [1024, 384], strides = [1, 1]} : vector<1024x768xf32> to vector<1024x384xf32>
      %slice3A_84 = vector.extract_strided_slice %get3A_10 {offsets = [0, 0], sizes = [1, 384], strides = [1, 1]} : vector<1x768xf32> to vector<1x384xf32>
      %add3A_85 = vector.broadcast %slice3A_84 : vector<1x384xf32> to vector<1024x384xf32>
      %add3A_86 = arith.addf %slice3A_83, %add3A_85 : vector<1024x384xf32>
      %logistic3A_87 = arith.negf %add3A_86 : vector<1024x384xf32>
      %logistic3A_88 = math.exp %logistic3A_87 : vector<1024x384xf32>
      %logistic3A_89 = arith.constant 1.000000e+00 : f32
      %logistic3A_90 = vector.broadcast %logistic3A_89 : f32 to vector<1024x384xf32>
      %logistic3A_91 = arith.addf %logistic3A_90, %logistic3A_88 : vector<1024x384xf32>
      %logistic3A_92 = arith.divf %logistic3A_90, %logistic3A_91 : vector<1024x384xf32>
      %slice3A_93 = vector.extract_strided_slice %dot_general3A_78 {offsets = [0, 384], sizes = [1024, 384], strides = [1, 1]} : vector<1024x768xf32> to vector<1024x384xf32>
      %slice3A_94 = vector.extract_strided_slice %get3A_10 {offsets = [0, 384], sizes = [1, 384], strides = [1, 1]} : vector<1x768xf32> to vector<1x384xf32>
      %add3A_95 = vector.broadcast %slice3A_94 : vector<1x384xf32> to vector<1024x384xf32>
      %add3A_96 = arith.addf %slice3A_93, %add3A_95 : vector<1024x384xf32>
      %logistic3A_97 = arith.negf %add3A_96 : vector<1024x384xf32>
      %logistic3A_98 = math.exp %logistic3A_97 : vector<1024x384xf32>
      %logistic3A_99 = arith.constant 1.000000e+00 : f32
      %logistic3A_100 = vector.broadcast %logistic3A_99 : f32 to vector<1024x384xf32>
      %logistic3A_101 = arith.addf %logistic3A_100, %logistic3A_98 : vector<1024x384xf32>
      %logistic3A_102 = arith.divf %logistic3A_100, %logistic3A_101 : vector<1024x384xf32>
      %add3A_103 = vector.broadcast %get3A_13 : vector<1x384xf32> to vector<1024x384xf32>
      %add3A_104 = arith.addf %dot_general3A_80, %add3A_103 : vector<1024x384xf32>
      %add3A_105 = vector.broadcast %get3A_16 : vector<1x384xf32> to vector<1024x384xf32>
      %add3A_106 = arith.addf %dot_general3A_82, %add3A_105 : vector<1024x384xf32>
      %mul3A_107 = arith.mulf %logistic3A_92, %add3A_106 : vector<1024x384xf32>
      %add3A_108 = arith.addf %add3A_104, %mul3A_107 : vector<1024x384xf32>
      %tanh3A_109 = math.tanh %add3A_108 : vector<1024x384xf32>
      %sub3A_110 = arith.constant 1.000000e+00 : f32
      %sub3A_111 = vector.broadcast %sub3A_110 : f32 to vector<1024x384xf32>
      %sub3A_112 = arith.subf %sub3A_111, %logistic3A_102 : vector<1024x384xf32>
      %mul3A_113 = arith.mulf %sub3A_112, %tanh3A_109 : vector<1024x384xf32>
      %mul3A_114 = arith.mulf %logistic3A_102, %add3A_66 : vector<1024x384xf32>
      %add3A_115 = arith.addf %mul3A_113, %mul3A_114 : vector<1024x384xf32>
      scf.yield %add3A_115 : vector<1024x384xf32>
    }
    %scan3A_24 = arith.constant 16 : i32
    %swap3A = arith.constant 0 : index
    %swap3A_25 = arith.constant 0 : index
    %swap3A_26 = vector.load %arg10[%swap3A, %swap3A_25] : memref<1024x384xf32, #tpu.memory_space<vmem>>, vector<1024x384xf32>
    tpu.vector_store %arg10[%swap3A, %swap3A_25], %scan3A_23 {strides = array<i32>} : memref<1024x384xf32, #tpu.memory_space<vmem>>, vector<1024x384xf32>,
    return
  }
}

</mosaic_0001>

<sc_bundles>
// kernel: kernel.6.cloned.1.call-start
scs
__scs_entry_jumppad:
0x0: {  	(pc) =	sbr.rel $0x88, $3  }
0x1: {  	(tag) =	ssettag $0x0;
	lr =	simm.s32 $0x1  }
0x2: {  	[smem:$0x3F99] =	sst lr;
	_ =	strace $0xD0000000  }
0x3: {  	_ = 	snop  }
0x4: {  	_ = 	snop  }
0x5: {  	_ = 	snop  }
0x6: {  	_ = 	snop  }
0x7: {  	_ = 	snop  }
__scs_overlays_trampoline_lowered:
0x8: {  	[smem:$0x3FA8] =	sst s0  }
0x9: {  	[smem:$0x3FA9] =	sst s1  }
0xa: {  	[smem:$0x3FAA] =	sst s2  }
0xb: {  	[smem:$0x3FAB] =	sst s3  }
0xc: {  	[smem:$0x3FAC] =	sst s4  }
0xd: {  	[smem:$0x3FAD] =	sst s5  }
0xe: {  	[smem:$0x3FAE] =	sst s6  }
0xf: {  	[smem:$0x3FAF] =	sst s7  }
0x10: {  	[smem:$0x3FB0] =	sst s8  }
0x11: {  	[smem:$0x3FB1] =	sst s9;
	s0 =	simm.s32 @!p0 $0x0  }
0x12: {  	s1 =	sld [smem:$0x3F97];
	s0 =	simm.s32 @p0 $0x1  }
0x13: {  	[smem:$0x3FB2] =	sst s0;
	s0 =	simm.s32 @!p1 $0x0  }
0x14: {  	s2 =	sld [smem:$0x3F96];
	s0 =	simm.s32 @p1 $0x1  }
0x15: {  	[smem:$0x3FB3] =	sst s0;
	s0 =	simm.s32 @!p2 $0x0  }
0x16: {  	s3 =	sld [smem:$0x3FDB];
	s0 =	simm.s32 @p2 $0x1  }
0x17: {  	s4 =	simm.s32 $0x1BF5;
	[smem:$0x3FB5] =	sst s0  }
0x18: {  	s0 =	sld [smem:$0x3F98];
	_ =	swait.ge [sflag:s4], $0x0  }
0x19: {  	s7 =	sld [smem:$0x3F99]  }
0x1a: {  	s8 =	sadd.s32 $0xFFFFE003, lr  }
0x1b: {  	s9 =	sadd.s32 $0xFFFFFEF7, lr;
	s5 =	simm.s32 $0xFFFFFFFF;
	p2 =	slt.u32 s8, $0xFFFFF086  }
0x1c: {  	p1 =	slt.u32 s9, $0xF7A;
	s5 =	simm.s32 @!p2 $0x0  }
0x1d: {  	s5 =	simm.s32 @p1 $0x1;
	p0 =	seq.s32 s7, s2  }
0x1e: {  	s7 =	smul.u32 @!p0 $0xF7A, s2;
	p2 =	seq.s32 @!p0 s5, $0x0  }
0x1f: {  	s9 =	smul.u32 $0xF7A, s1;
	s8 =	simm.s32 @!p0 $0x1BF5;
	p2 =	por !p2, p0  }
0x20: {  	[sflag:s8] =	ssyncset.s32 @!p0 $0xFFFFF086;
	s6 =	sadd.s32 @!p0 s3, s7;
	s7 =	simm.s32 @!p0 $0x108  }
0x21: {  	s3 =	sadd.s32 s3, s9;
	s6 =	sadd.s32 @!p0 $0x88, s6;
	s7 =	simm.s32 @p2 $0x1082  }
0x22: {  	[simem:s7], [sflag:s8] =	dma.local @!p0 [hbm:s6], $0xF7A  }
0x23: {  	s9 =	sor.u32 $0xD0000000, s2;
	s6 =	simm.s32 $0x108;
	_ =	swait.ge @!p0 [sflag:s8], $0x0  }
0x24: {  	s3 =	sadd.s32 $0x88, s3;
	s6 =	simm.s32 @!p1 $0x1082;
	[sflag:s4] =	ssyncset.s32 $0xFFFFF086  }
0x25: {  	[simem:s6], [sflag:s4] =	dma.local [hbm:s3], $0xF7A  }
0x26: {  	[smem:$0x3F99] =	sst s1;
	(tag) =	ssettag s2;
	_ =	strace s9  }
0x27: {  	s1 =	sld [smem:$0x3FA9]  }
0x28: {  	s2 =	sld [smem:$0x3FAA]  }
0x29: {  	s4 =	sld [smem:$0x3FAC]  }
0x2a: {  	p0 =	seq.s32 s5, $0x0;
	s5 =	sld [smem:$0x3FAD]  }
0x2b: {  	s6 =	sld [smem:$0x3FAE]  }
0x2c: {  	s7 =	sld [smem:$0x3FAF]  }
0x2d: {  	s3 =	simm.s32 $0x108;
	s8 =	sld [smem:$0x3FB0]  }
0x2e: {  	s3 =	simm.s32 @!p0 $0x1082;
	s9 =	sld [smem:$0x3FB1]  }
0x2f: {  	lr =	sadd.s32 s0, s3;
	s0 =	sld [smem:$0x3FA8]  }
0x30: {  	s3 =	sld [smem:$0x3FAB]  }
0x31: {  	[smem:$0x3FB4] =	sst s10  }
0x32: {  	s10 =	sld [smem:$0x3FB2];
	_ =	sdelay $0x3  }
0x33: {  	p0 =	seq.s32 s10, $0x1;
	s10 =	sld [smem:$0x3FB4];
	_ =	sdelay $0x3  }
0x34: {  	[smem:$0x3FB4] =	sst s10  }
0x35: {  	s10 =	sld [smem:$0x3FB3];
	_ =	sdelay $0x3  }
0x36: {  	p1 =	seq.s32 s10, $0x1;
	s10 =	sld [smem:$0x3FB4];
	_ =	sdelay $0x3  }
0x37: {  	[smem:$0x3FB4] =	sst s10  }
0x38: {  	s10 =	sld [smem:$0x3FB5]  }
0x39: {  	_ = 	snop;
	(pc) =	sbr.ind lr, $3  }
0x3a: {  	_ = 	snop  }
0x3b: {  	_ = 	snop  }
0x3c: {  	p2 =	seq.s32 s10, $0x1;
	s10 =	sld [smem:$0x3FB4]  }
0x3d: {  	_ =	shalt  }
0x3e: {  	_ =	shalt  }
0x3f: {  	_ =	shalt  }
0x40: {  	_ =	shalt  }
0x41: {  	_ =	shalt  }
0x42: {  	_ =	shalt  }
0x43: {  	_ =	shalt  }
0x44: {  	_ =	shalt  }
0x45: {  	_ =	shalt  }
0x46: {  	_ =	shalt  }
0x47: {  	_ =	shalt  }
0x48: {  	_ =	shalt  }
0x49: {  	_ =	shalt  }
0x4a: {  	_ =	shalt  }
0x4b: {  	_ =	shalt  }
0x4c: {  	_ =	shalt  }
0x4d: {  	_ =	shalt  }
0x4e: {  	_ =	shalt  }
0x4f: {  	_ =	shalt  }
0x50: {  	_ =	shalt  }
0x51: {  	_ =	shalt  }
0x52: {  	_ =	shalt  }
0x53: {  	_ =	shalt  }
0x54: {  	_ =	shalt  }
0x55: {  	_ =	shalt  }
0x56: {  	_ =	shalt  }
0x57: {  	_ =	shalt  }
0x58: {  	_ =	shalt  }
0x59: {  	_ =	shalt  }
0x5a: {  	_ =	shalt  }
0x5b: {  	_ =	shalt  }
0x5c: {  	_ =	shalt  }
0x5d: {  	_ =	shalt  }
0x5e: {  	_ =	shalt  }
0x5f: {  	_ =	shalt  }
0x60: {  	_ =	shalt  }
0x61: {  	_ =	shalt  }
0x62: {  	_ =	shalt  }
0x63: {  	_ =	shalt  }
0x64: {  	_ =	shalt  }
0x65: {  	_ =	shalt  }
0x66: {  	_ =	shalt  }
0x67: {  	_ =	shalt  }
0x68: {  	_ =	shalt  }
0x69: {  	_ =	shalt  }
0x6a: {  	_ =	shalt  }
0x6b: {  	_ =	shalt  }
0x6c: {  	_ =	shalt  }
0x6d: {  	_ =	shalt  }
0x6e: {  	_ =	shalt  }
0x6f: {  	_ =	shalt  }
0x70: {  	_ =	shalt  }
0x71: {  	_ =	shalt  }
0x72: {  	_ =	shalt  }
0x73: {  	_ =	shalt  }
0x74: {  	_ =	shalt  }
0x75: {  	_ =	shalt  }
0x76: {  	_ =	shalt  }
0x77: {  	_ =	shalt  }
0x78: {  	_ =	shalt  }
0x79: {  	_ =	shalt  }
0x7a: {  	_ =	shalt  }
0x7b: {  	_ =	shalt  }
0x7c: {  	_ =	shalt  }
0x7d: {  	_ =	shalt  }
0x7e: {  	_ =	shalt  }
0x7f: {  	_ =	shalt  }
0x80: {  	_ =	shalt  }
0x81: {  	_ =	shalt  }
0x82: {  	_ =	shalt  }
0x83: {  	_ =	shalt  }
0x84: {  	_ =	shalt  }
0x85: {  	_ =	shalt  }
0x86: {  	_ =	shalt  }
0x87: {  	_ =	shalt  }
.Lfunc_end0:
.L_simem_size_0:
called_computation_lowered:
.L_overlay_start_0:
0x88: {  	s2 =	sld [smem:$0x3FD9]  }
0x89: {  	s3 =	sld [smem:$0x3FFE];
	_ =	sdelay $0x1  }
0x8a: {  	s1 =	srdreg.scid  }
0x8b: {  	s0 =	sand.u32 $0x1, s1  }
0x8c: {  	s17 =	sshll.u32 s0, $0xA;
	s2 =	sadd.s32 s3, s2  }
0x8d: {  	s2 =	sadd.s32 s2, s17  }
0x8e: {  	[smem:$0x3FC0] =	sst s2  }
0x8f: {  	_ = 	snop  }
0x90: {  	s2 =	sld [smem:$0x3FC8];
	(tm) =	ssettm $0x1  }
0x91: {  	s18 =	sld [smem:$0x3FFB];
	_ =	sdelay $0x3  }
0x92: {  	_ =	strace s18  }
0x93: {  	s3 =	sld [smem:$0x3FFC];
	_ =	sdelay $0x3  }
0x94: {  	_ =	strace s3  }
0x95: {  	s3 =	sld [smem:$0x3FFD];
	_ =	sdelay $0x3  }
0x96: {  	_ =	strace s3  }
0x97: {  	_ =	strace $0x8FFFFFFF  }
0x98: {  	s19 =	sld [smem:$0x3FDB];
	_ =	sdelay $0x1  }
0x99: {  	s4 =	simm.s32 $_scs_section_size  }
0x9a: {  	s5 =	simm.s32 $_size__tile_overlayer_lowered;
	s6 =	simm.s32 $_tile_overlayer_lowered  }
0x9b: {  	s22 =	simm.s32 $0x1BFF;
	s21 =	sshll.u32 s6, $0x1;
	s3 =	sadd.s32 s4, s19  }
0x9c: {  	s7 =	simm.s32 $0x0;
	s20 =	sshll.u32 s5, $0x1;
	s5 =	sadd.s32 s21, s3  }
0x9d: {  	[timem:s7], [sflag:s22] =	dma.local [hbm:s5], s20  }
0x9e: {  	_ =	swait.ge [sflag:s22], s20  }
0x9f: {  	s4 =	ssub.s32 $0x0, s20;
	[sflag:s22] =	ssyncset.done $0x0  }
0xa0: {  	[sflag:s22] =	ssyncadd.s32 s4;
	_ =	sdelay $0x1  }
0xa1: {  	s23 =	simm.s32 $0x1B8B  }
0xa2: {  	_ =	swait.ge [sflag:s23], $0x1  }
0xa3: {  	[sflag:s23] =	ssyncset.done $0x0  }
0xa4: {  	s25 =	simm.s32 $0x1B8E;
	s24 =	sld [smem:$0x3FFE];
	[sflag:s23] =	ssyncadd.s32 $0xFFFFFFFF  }
0xa5: {  	s26 =	simm.s32 $execute0_lowered;
	[smem:$0x3FD2] =	sst s25  }
0xa6: {  	s5 =	sshll.u32 s26, $0x1;
	_ =	strace $0x80000046;
	[dreg:$0x1] =	wrdreg $0xFFFFFFFF  }
0xa7: {  	s28 =	simm.s32 $_size_execute0_lowered;
	s3 =	sadd.s32 s3, s5;
	[dreg:$0x0] =	wrdreg $0x0  }
0xa8: {  	s5 =	sshll.u32 s28, $0x1;
	[dreg:$0x2] =	wrdreg s3  }
0xa9: {  	[dreg:$0x3] =	wrdreg s5  }
0xaa: {  	[dreg:$0x4] =	wrdreg $0xC0  }
0xab: {  	_ =	task [dreg:s7], $0x5FFFF  }
0xac: {  	[dreg:$0x1] =	wrdreg $0xFFFFFFFF  }
0xad: {  	[dreg:$0x0] =	wrdreg $0x60  }
0xae: {  	[dreg:$0x2] =	wrdreg s2  }
0xaf: {  	[dreg:$0x3] =	wrdreg s24  }
0xb0: {  	[dreg:$0x4] =	wrdreg $0x9  }
0xb1: {  	_ =	task.clear_ibuf [dreg:s7], $0x5FFFF;
	_ =	strace $0x90000046  }
0xb2: {  	s29 =	simm.s32 $0x9;
	_ =	strace $0x80000048  }
0xb3: {  	_ =	swait.ge [sflag:s29], $0x1  }
0xb4: {  	[sflag:s29] =	ssyncadd.s32 $0xFFFFFFFF  }
0xb5: {  	_ =	strace $0x90000048  }
0xb6: {  	_ =	sfence  }
0xb7: {  	s30 =	sld [smem:$0x0];
	_ =	sdelay $0x2  }
0xb8: {  	s31 =	sshll.u32 s1, $0xD;
	s1 =	sshrl.u32 s1, $0x2  }
0xb9: {  	s3 =	sand.u32 $0x4000, s31;
	s1 =	sadd.s32 s1, s30  }
0xba: {  	s0 =	sor.u32 s3, s0;
	s1 =	sshll.u32 s1, $0x11  }
0xbb: {  	s0 =	sor.u32 s1, s0  }
0xbc: {  	s0 =	sadd.s32 $0x8F2B, s0  }
0xbd: {  	[sflag:s0] =	ssyncadd.remote.s32 $0x1  }
0xbe: {  	_ =	sfence.sel $0xFFFF  }
0xbf: {  	[dreg:$0x0] =	wrdreg $0xFFFFFFFF;
	(pc) =	sbr.abs _section_cstart, $3  }
0xc0: {  	[dreg:$0x1] =	wrdreg $0xFFFFFFFF  }
0xc1: {  	_ =	task.clear_ibuf [dreg:s7], $0x2FFFF;
	_ =	strace $0x9FFFFFFF  }
0xc2: {  	(tm) =	ssettm $0x7FFFFFFF  }
0xc3: {  	_ =	shalt  }
tec
execute0_lowered:
.L_overlay_start_1:
0x0: {  	(tag) =	ssettag $0x1  }
0x1: {  	s1 =	srdreg.scid  }
0x2: {  	s0 =	stileid.u32;
	s12 =	sand.u32 $0x1, s1  }
0x3: {  	s31 =	sshll.u32 s0, $0xA;
	s3 =	sshll.u32 s12, $0x9  }
0x4: {  	s2 =	rddreg [dreg:$0x0];
	s11 =	sor.u32 s3, s31  }
0x5: {  	s10 =	rddreg [dreg:$0x1];
	s3 =	simm.s32 $0x0;
	s4 =	sshrl.u32 s11, $0x3  }
0x6: {  	s5 =	simm.s32 $0x5;
	[smem:$0x7FF] =	sst s3;
	s4 =	sadd.s32 s4, s10  }
0x7: {  	s1 =	rddreg [dreg:$0x2];
	_ =	strace $0x80000047;
	s4 =	sadd.s32 $0x2000, s4  }
0x8: {  	[tilespmem:s3], [sflag:$0x5] =	stream.linear.gather [hbm4b:s4+s3], $0x200, $0x38;
	[tilespmem:$0x10200] =	vst v63  }
0x9: {  	_ =	swait.ge [sflag:s5], $0x200  }
0xa: {  	[sflag:s5] =	ssyncset.done $0x0  }
0xb: {  	s6 =	simm.s32 $0x100;
	s7 =	simm.s32 $0x200;
	[sflag:s5] =	ssyncadd.s32 $0xFFFFFE00  }
0xc: {  	[tilespmem:s7], [sflag:$0x1] =	stream.indirect.gather [hbm4b:s2+s6], $0x80, s3, s6, $0xb8;
	[tilespmem:$0x10200] =	vst v63  }
0xd: {  	s8 =	simm.s32 $0x8200;
	s9 =	simm.s32 $0x1  }
0xe: {  	[tilespmem:s8], [sflag:$0x2] =	stream.indirect.gather [hbm4b:s2+s6], $0x80, s6, s6, $0xb8;
	[tilespmem:$0x10200] =	vst v63  }
0xf: {  	s14 =	ssub.s32 $0x2, s12;
	s11 =	sshll.u32 s11, $0x4;
	_ =	swait.ge [sflag:s9], $0x8000  }
0x10: {  	s15 =	sshrl.u32 s14, $0x1;
	s13 =	sadd.s32 s11, s10;
	[sflag:s9] =	ssyncset.done $0x0  }
0x11: {  	s11 =	simm.s32 $0x2;
	s10 =	sadd.s32 $0x2800, s13;
	[sflag:s9] =	ssyncadd.s32 $0xFFFF8000  }
0x12: {  	[hbm4b:s10+s3] =	stream.linear.scatter [tilespmem:s7], [sflag:$0x3], $0x8000, $0x38;
	[tilespmem:$0x10200] =	vst v63  }
0x13: {  	s14 =	ssub.s32 s14, s15;
	_ =	swait.ge [sflag:s11], $0x8000  }
0x14: {  	s15 =	smax.u32 s14, $0x1;
	s12 =	sadd.s32 $0x3800, s13;
	[sflag:s11] =	ssyncset.done $0x0  }
0x15: {  	s13 =	simm.s32 $0x3;
	p0 =	sne.s32 s15, $0x1;
	[sflag:s11] =	ssyncadd.s32 $0xFFFF8000  }
0x16: {  	[hbm4b:s12+s3] =	stream.linear.scatter [tilespmem:s8], [sflag:$0x4], $0x8000, $0x38;
	[tilespmem:$0x10200] =	vst v63  }
.Ltmp0:
0x17: {  	_ =	swait.ge [sflag:s13], $0x8000;
	(pc) =	sbr.rel @!p0 .LBB2_2-.Ltmp0, $4  }
0x18: {  	[sflag:s13] =	ssyncset.done $0x0  }
0x19: {  	s14 =	simm.s32 $0x4;
	[sflag:s13] =	ssyncadd.s32 $0xFFFF8000  }
0x1a: {  	_ =	swait.ge [sflag:s14], $0x8000  }
0x1b: {  	s15 =	sadd.s32 $0xFFFFFFFF, s15;
	[sflag:s14] =	ssyncset.done $0x0  }
.LBB2_1:
0x1c: {  	p0 =	sne.s32 s15, $0x1;
	s15 =	sadd.s32 $0xFFFFFFFF, s15;
	[sflag:s14] =	ssyncadd.s32 $0xFFFF8000  }
0x1d: {  	[tilespmem:s3], [sflag:$0x5] =	stream.linear.gather [hbm4b:s4+s3], $0x200, $0x38;
	[tilespmem:$0x10200] =	vst v63  }
0x1e: {  	_ =	swait.ge [sflag:s5], $0x200  }
0x1f: {  	[sflag:s5] =	ssyncset.done $0x0  }
0x20: {  	[sflag:s5] =	ssyncadd.s32 $0xFFFFFE00  }
0x21: {  	[tilespmem:s7], [sflag:$0x1] =	stream.indirect.gather [hbm4b:s2+s6], $0x80, s3, s6, $0xb8;
	[tilespmem:$0x10200] =	vst v63  }
0x22: {  	_ = 	snop  }
0x23: {  	[tilespmem:s8], [sflag:$0x2] =	stream.indirect.gather [hbm4b:s2+s6], $0x80, s6, s6, $0xb8;
	[tilespmem:$0x10200] =	vst v63  }
0x24: {  	_ =	swait.ge [sflag:s9], $0x8000  }
0x25: {  	[sflag:s9] =	ssyncset.done $0x0  }
0x26: {  	[sflag:s9] =	ssyncadd.s32 $0xFFFF8000  }
0x27: {  	[hbm4b:s10+s3] =	stream.linear.scatter [tilespmem:s7], [sflag:$0x3], $0x8000, $0x38;
	[tilespmem:$0x10200] =	vst v63  }
0x28: {  	_ =	swait.ge [sflag:s11], $0x8000  }
0x29: {  	[sflag:s11] =	ssyncset.done $0x0  }
0x2a: {  	[sflag:s11] =	ssyncadd.s32 $0xFFFF8000  }
0x2b: {  	[hbm4b:s12+s3] =	stream.linear.scatter [tilespmem:s8], [sflag:$0x4], $0x8000, $0x38;
	[tilespmem:$0x10200] =	vst v63  }
.Ltmp1:
0x2c: {  	_ =	swait.ge [sflag:s13], $0x8000;
	(pc) =	sbr.rel @p0 .LBB2_1-.Ltmp1, $4  }
0x2d: {  	[sflag:s13] =	ssyncset.done $0x0  }
0x2e: {  	[sflag:s13] =	ssyncadd.s32 $0xFFFF8000  }
0x2f: {  	_ =	swait.ge [sflag:s14], $0x8000  }
0x30: {  	[sflag:s14] =	ssyncset.done $0x0  }
.LBB2_2:
0x31: {  	[sflag:s14] =	ssyncadd.s32 $0xFFFF8000  }
0x32: {  	_ =	sfence.sel $0x180000  }
0x33: {  	[bflag:$0x0] =	sbarrier.arrive $0xFFFF  }
0x34: {  	p0 =	sne.s32 s0, $0x0;
	_ =	strace $0x90000047  }
0x35: {  	s0 =	sadd.s32 @!p0 $0x100000, s1;
	[bflag:$0x2] =	sbarrier.arrive $0xFFFF  }
0x36: {  	[sflag:s0] =	ssyncadd.tile.s32 @!p0 $0x1;
	_ =	shalt  }
.Lfunc_end2:
_tile_overlayer_lowered:
.L_overlay_start_2:
0x37: {  	(tag) =	ssettag $0x2  }
0x38: {  	s0 =	rddreg [dreg:$0x0];
	s2 =	stileid.u32  }
0x39: {  	s1 =	rddreg [dreg:$0x1];
	p0 =	sne.s32 s2, $0x0  }
0x3a: {  	s3 =	rddreg [dreg:$0x2];
	[bflag:$0x3] =	sbarrier.arrive $0xFFFF;
	s2 =	simm.s32 @!p0 $0x1C05  }
0x3b: {  	[timem:s3], [sflag:s2] =	dma.local @!p0 [hbm:s0], s1  }
0x3c: {  	s0 =	simm.s32 @!p0 $0x5  }
0x3d: {  	_ =	swait.ge @!p0 [sflag:s0], s1  }
0x3e: {  	s1 =	ssub.s32 @!p0 $0x0, s1;
	[sflag:s0] =	ssyncset.done @!p0 $0x0  }
0x3f: {  	[sflag:s0] =	ssyncadd.s32 @!p0 s1  }
0x40: {  	[bflag:$0x3] =	sbarrier.arrive $0xFFFF  }
0x41: {  	_ =	shalt  }

// kernel: kernel.9.cloned.1.call-start
scs
__scs_entry_jumppad:
0x0: {  	(pc) =	sbr.rel $0x88, $3  }
0x1: {  	(tag) =	ssettag $0x0;
	lr =	simm.s32 $0x1  }
0x2: {  	[smem:$0x3F99] =	sst lr;
	_ =	strace $0xD0000000  }
0x3: {  	_ = 	snop  }
0x4: {  	_ = 	snop  }
0x5: {  	_ = 	snop  }
0x6: {  	_ = 	snop  }
0x7: {  	_ = 	snop  }
__scs_overlays_trampoline_lowered:
0x8: {  	[smem:$0x3FA8] =	sst s0  }
0x9: {  	[smem:$0x3FA9] =	sst s1  }
0xa: {  	[smem:$0x3FAA] =	sst s2  }
0xb: {  	[smem:$0x3FAB] =	sst s3  }
0xc: {  	[smem:$0x3FAC] =	sst s4  }
0xd: {  	[smem:$0x3FAD] =	sst s5  }
0xe: {  	[smem:$0x3FAE] =	sst s6  }
0xf: {  	[smem:$0x3FAF] =	sst s7  }
0x10: {  	[smem:$0x3FB0] =	sst s8  }
0x11: {  	[smem:$0x3FB1] =	sst s9;
	s0 =	simm.s32 @!p0 $0x0  }
0x12: {  	s1 =	sld [smem:$0x3F97];
	s0 =	simm.s32 @p0 $0x1  }
0x13: {  	[smem:$0x3FB2] =	sst s0;
	s0 =	simm.s32 @!p1 $0x0  }
0x14: {  	s2 =	sld [smem:$0x3F96];
	s0 =	simm.s32 @p1 $0x1  }
0x15: {  	[smem:$0x3FB3] =	sst s0;
	s0 =	simm.s32 @!p2 $0x0  }
0x16: {  	s3 =	sld [smem:$0x3FDB];
	s0 =	simm.s32 @p2 $0x1  }
0x17: {  	s4 =	simm.s32 $0x1BF5;
	[smem:$0x3FB5] =	sst s0  }
0x18: {  	s0 =	sld [smem:$0x3F98];
	_ =	swait.ge [sflag:s4], $0x0  }
0x19: {  	s7 =	sld [smem:$0x3F99]  }
0x1a: {  	s8 =	sadd.s32 $0xFFFFE003, lr  }
0x1b: {  	s9 =	sadd.s32 $0xFFFFFEF7, lr;
	s5 =	simm.s32 $0xFFFFFFFF;
	p2 =	slt.u32 s8, $0xFFFFF086  }
0x1c: {  	p1 =	slt.u32 s9, $0xF7A;
	s5 =	simm.s32 @!p2 $0x0  }
0x1d: {  	s5 =	simm.s32 @p1 $0x1;
	p0 =	seq.s32 s7, s2  }
0x1e: {  	s7 =	smul.u32 @!p0 $0xF7A, s2;
	p2 =	seq.s32 @!p0 s5, $0x0  }
0x1f: {  	s9 =	smul.u32 $0xF7A, s1;
	s8 =	simm.s32 @!p0 $0x1BF5;
	p2 =	por !p2, p0  }
0x20: {  	[sflag:s8] =	ssyncset.s32 @!p0 $0xFFFFF086;
	s6 =	sadd.s32 @!p0 s3, s7;
	s7 =	simm.s32 @!p0 $0x108  }
0x21: {  	s3 =	sadd.s32 s3, s9;
	s6 =	sadd.s32 @!p0 $0x88, s6;
	s7 =	simm.s32 @p2 $0x1082  }
0x22: {  	[simem:s7], [sflag:s8] =	dma.local @!p0 [hbm:s6], $0xF7A  }
0x23: {  	s9 =	sor.u32 $0xD0000000, s2;
	s6 =	simm.s32 $0x108;
	_ =	swait.ge @!p0 [sflag:s8], $0x0  }
0x24: {  	s3 =	sadd.s32 $0x88, s3;
	s6 =	simm.s32 @!p1 $0x1082;
	[sflag:s4] =	ssyncset.s32 $0xFFFFF086  }
0x25: {  	[simem:s6], [sflag:s4] =	dma.local [hbm:s3], $0xF7A  }
0x26: {  	[smem:$0x3F99] =	sst s1;
	(tag) =	ssettag s2;
	_ =	strace s9  }
0x27: {  	s1 =	sld [smem:$0x3FA9]  }
0x28: {  	s2 =	sld [smem:$0x3FAA]  }
0x29: {  	s4 =	sld [smem:$0x3FAC]  }
0x2a: {  	p0 =	seq.s32 s5, $0x0;
	s5 =	sld [smem:$0x3FAD]  }
0x2b: {  	s6 =	sld [smem:$0x3FAE]  }
0x2c: {  	s7 =	sld [smem:$0x3FAF]  }
0x2d: {  	s3 =	simm.s32 $0x108;
	s8 =	sld [smem:$0x3FB0]  }
0x2e: {  	s3 =	simm.s32 @!p0 $0x1082;
	s9 =	sld [smem:$0x3FB1]  }
0x2f: {  	lr =	sadd.s32 s0, s3;
	s0 =	sld [smem:$0x3FA8]  }
0x30: {  	s3 =	sld [smem:$0x3FAB]  }
0x31: {  	[smem:$0x3FB4] =	sst s10  }
0x32: {  	s10 =	sld [smem:$0x3FB2];
	_ =	sdelay $0x3  }
0x33: {  	p0 =	seq.s32 s10, $0x1;
	s10 =	sld [smem:$0x3FB4];
	_ =	sdelay $0x3  }
0x34: {  	[smem:$0x3FB4] =	sst s10  }
0x35: {  	s10 =	sld [smem:$0x3FB3];
	_ =	sdelay $0x3  }
0x36: {  	p1 =	seq.s32 s10, $0x1;
	s10 =	sld [smem:$0x3FB4];
	_ =	sdelay $0x3  }
0x37: {  	[smem:$0x3FB4] =	sst s10  }
0x38: {  	s10 =	sld [smem:$0x3FB5]  }
0x39: {  	_ = 	snop;
	(pc) =	sbr.ind lr, $3  }
0x3a: {  	_ = 	snop  }
0x3b: {  	_ = 	snop  }
0x3c: {  	p2 =	seq.s32 s10, $0x1;
	s10 =	sld [smem:$0x3FB4]  }
0x3d: {  	_ =	shalt  }
0x3e: {  	_ =	shalt  }
0x3f: {  	_ =	shalt  }
0x40: {  	_ =	shalt  }
0x41: {  	_ =	shalt  }
0x42: {  	_ =	shalt  }
0x43: {  	_ =	shalt  }
0x44: {  	_ =	shalt  }
0x45: {  	_ =	shalt  }
0x46: {  	_ =	shalt  }
0x47: {  	_ =	shalt  }
0x48: {  	_ =	shalt  }
0x49: {  	_ =	shalt  }
0x4a: {  	_ =	shalt  }
0x4b: {  	_ =	shalt  }
0x4c: {  	_ =	shalt  }
0x4d: {  	_ =	shalt  }
0x4e: {  	_ =	shalt  }
0x4f: {  	_ =	shalt  }
0x50: {  	_ =	shalt  }
0x51: {  	_ =	shalt  }
0x52: {  	_ =	shalt  }
0x53: {  	_ =	shalt  }
0x54: {  	_ =	shalt  }
0x55: {  	_ =	shalt  }
0x56: {  	_ =	shalt  }
0x57: {  	_ =	shalt  }
0x58: {  	_ =	shalt  }
0x59: {  	_ =	shalt  }
0x5a: {  	_ =	shalt  }
0x5b: {  	_ =	shalt  }
0x5c: {  	_ =	shalt  }
0x5d: {  	_ =	shalt  }
0x5e: {  	_ =	shalt  }
0x5f: {  	_ =	shalt  }
0x60: {  	_ =	shalt  }
0x61: {  	_ =	shalt  }
0x62: {  	_ =	shalt  }
0x63: {  	_ =	shalt  }
0x64: {  	_ =	shalt  }
0x65: {  	_ =	shalt  }
0x66: {  	_ =	shalt  }
0x67: {  	_ =	shalt  }
0x68: {  	_ =	shalt  }
0x69: {  	_ =	shalt  }
0x6a: {  	_ =	shalt  }
0x6b: {  	_ =	shalt  }
0x6c: {  	_ =	shalt  }
0x6d: {  	_ =	shalt  }
0x6e: {  	_ =	shalt  }
0x6f: {  	_ =	shalt  }
0x70: {  	_ =	shalt  }
0x71: {  	_ =	shalt  }
0x72: {  	_ =	shalt  }
0x73: {  	_ =	shalt  }
0x74: {  	_ =	shalt  }
0x75: {  	_ =	shalt  }
0x76: {  	_ =	shalt  }
0x77: {  	_ =	shalt  }
0x78: {  	_ =	shalt  }
0x79: {  	_ =	shalt  }
0x7a: {  	_ =	shalt  }
0x7b: {  	_ =	shalt  }
0x7c: {  	_ =	shalt  }
0x7d: {  	_ =	shalt  }
0x7e: {  	_ =	shalt  }
0x7f: {  	_ =	shalt  }
0x80: {  	_ =	shalt  }
0x81: {  	_ =	shalt  }
0x82: {  	_ =	shalt  }
0x83: {  	_ =	shalt  }
0x84: {  	_ =	shalt  }
0x85: {  	_ =	shalt  }
0x86: {  	_ =	shalt  }
0x87: {  	_ =	shalt  }
.Lfunc_end0:
.L_simem_size_0:
called_computation.1_lowered:
.L_overlay_start_0:
0x88: {  	s2 =	sld [smem:$0x3FD9]  }
0x89: {  	s3 =	sld [smem:$0x3FFE];
	_ =	sdelay $0x1  }
0x8a: {  	s1 =	srdreg.scid  }
0x8b: {  	s0 =	sand.u32 $0x1, s1  }
0x8c: {  	s17 =	sshll.u32 s0, $0xA;
	s2 =	sadd.s32 s3, s2  }
0x8d: {  	s2 =	sadd.s32 s2, s17  }
0x8e: {  	[smem:$0x3FC0] =	sst s2  }
0x8f: {  	_ = 	snop  }
0x90: {  	s18 =	sld [smem:$0x3FC8]  }
0x91: {  	s4 =	sld [smem:$0x3FD0];
	(tm) =	ssettm $0x1  }
0x92: {  	s19 =	sld [smem:$0x3FFB];
	_ =	sdelay $0x3  }
0x93: {  	_ =	strace s19  }
0x94: {  	s2 =	sld [smem:$0x3FFC];
	_ =	sdelay $0x3  }
0x95: {  	_ =	strace s2  }
0x96: {  	s2 =	sld [smem:$0x3FFD];
	_ =	sdelay $0x3  }
0x97: {  	_ =	strace s2  }
0x98: {  	_ =	strace $0x8FFFFFFF  }
0x99: {  	s20 =	sld [smem:$0x3FDB];
	_ =	sdelay $0x1  }
0x9a: {  	s5 =	simm.s32 $_scs_section_size  }
0x9b: {  	s6 =	simm.s32 $_size__tile_overlayer_lowered;
	s7 =	simm.s32 $_tile_overlayer_lowered  }
0x9c: {  	s8 =	simm.s32 $0x1BFF;
	s21 =	sshll.u32 s7, $0x1;
	s5 =	sadd.s32 s5, s20  }
0x9d: {  	s22 =	simm.s32 $0x0;
	s6 =	sshll.u32 s6, $0x1;
	s7 =	sadd.s32 s21, s5  }
0x9e: {  	[timem:s22], [sflag:s8] =	dma.local [hbm:s7], s6  }
0x9f: {  	_ =	swait.ge [sflag:s8], s6  }
0xa0: {  	s6 =	ssub.s32 $0x0, s6;
	[sflag:s8] =	ssyncset.done $0x0  }
0xa1: {  	[sflag:s8] =	ssyncadd.s32 s6;
	_ =	sdelay $0x1  }
0xa2: {  	s23 =	simm.s32 $0x1B8B  }
0xa3: {  	_ =	swait.ge [sflag:s23], $0x1  }
0xa4: {  	[sflag:s23] =	ssyncset.done $0x0  }
0xa5: {  	[sflag:s23] =	ssyncadd.s32 $0xFFFFFFFF  }
0xa6: {  	s6 =	sld [smem:$0x0]  }
0xa7: {  	s7 =	sand.u32 $0xFFFFFFFE, s1  }
0xa8: {  	p0 =	sne.s32 s1, s7  }
0xa9: {  	s7 =	sshll.u32 @p0 s7, $0xE  }
0xaa: {  	s7 =	sadd.s32 @p0 $0x11B8D, s7;
	s8 =	sshll.u32 @p0 s6, $0x11  }
0xab: {  	s7 =	sor.u32 @p0 s8, s7  }
0xac: {  	[sflag:s7] =	ssyncadd.remote.s32 @p0 $0x1;
	_ =	sdelay $0x1  }
0xad: {  	s7 =	simm.s32 @p0 $0x1B8D  }
0xae: {  	_ =	swait.eq @p0 [sflag:s7], $0x1  }
0xaf: {  	[sflag:s7] =	ssyncadd.s32 @p0 $0xFFFFFFFF  }
0xb0: {  	s8 =	sshll.u32 @!p0 s1, $0xE  }
0xb1: {  	s8 =	sor.u32 @!p0 $0x4000, s8;
	s7 =	simm.s32 @!p0 $0x1B8D  }
0xb2: {  	s6 =	sshll.u32 @!p0 s6, $0x11;
	s8 =	sadd.s32 @!p0 $0x11B8D, s8;
	_ =	swait.eq @!p0 [sflag:s7], $0x1  }
0xb3: {  	s6 =	sor.u32 @!p0 s6, s8;
	[sflag:s7] =	ssyncadd.s32 @!p0 $0xFFFFFFFF  }
0xb4: {  	s25 =	simm.s32 $0x1B8E;
	s24 =	sld [smem:$0x3FFE];
	[sflag:s6] =	ssyncadd.remote.s32 @!p0 $0x1  }
0xb5: {  	s26 =	simm.s32 $execute0_lowered;
	[smem:$0x3FD2] =	sst s25  }
0xb6: {  	s7 =	sshll.u32 s26, $0x1;
	_ =	strace $0x80000049;
	[dreg:$0x1] =	wrdreg $0xFFFFFFFF  }
0xb7: {  	s28 =	simm.s32 $_size_execute0_lowered;
	s5 =	sadd.s32 s5, s7;
	[dreg:$0x0] =	wrdreg $0x0  }
0xb8: {  	s7 =	sshll.u32 s28, $0x1;
	[dreg:$0x2] =	wrdreg s5  }
0xb9: {  	[dreg:$0x3] =	wrdreg s7  }
0xba: {  	[dreg:$0x4] =	wrdreg $0xC0  }
0xbb: {  	_ =	task [dreg:s22], $0x5FFFF  }
0xbc: {  	[dreg:$0x1] =	wrdreg $0xFFFFFFFF  }
0xbd: {  	[dreg:$0x0] =	wrdreg $0x60  }
0xbe: {  	[dreg:$0x2] =	wrdreg s18  }
0xbf: {  	[dreg:$0x3] =	wrdreg s4  }
0xc0: {  	[dreg:$0x4] =	wrdreg s24  }
0xc1: {  	[dreg:$0x5] =	wrdreg $0xA  }
0xc2: {  	_ =	task.clear_ibuf [dreg:s22], $0x6FFFF;
	_ =	strace $0x90000049  }
0xc3: {  	s29 =	simm.s32 $0xA;
	_ =	strace $0x8000004B  }
0xc4: {  	_ =	swait.ge [sflag:s29], $0x1  }
0xc5: {  	[sflag:s29] =	ssyncadd.s32 $0xFFFFFFFF  }
0xc6: {  	_ =	strace $0x9000004B  }
0xc7: {  	_ =	sfence  }
0xc8: {  	s30 =	sld [smem:$0x0];
	_ =	sdelay $0x2  }
0xc9: {  	s31 =	sshll.u32 s1, $0xD;
	s1 =	sshrl.u32 s1, $0x2  }
0xca: {  	s4 =	sand.u32 $0x4000, s31;
	s1 =	sadd.s32 s1, s30  }
0xcb: {  	s0 =	sor.u32 s4, s0;
	s1 =	sshll.u32 s1, $0x11  }
0xcc: {  	s0 =	sor.u32 s1, s0  }
0xcd: {  	s0 =	sadd.s32 $0x8F2B, s0  }
0xce: {  	[sflag:s0] =	ssyncadd.remote.s32 $0x1  }
0xcf: {  	_ =	sfence.sel $0xFFFF  }
0xd0: {  	[dreg:$0x0] =	wrdreg $0xFFFFFFFF;
	(pc) =	sbr.abs _section_cstart, $3  }
0xd1: {  	[dreg:$0x1] =	wrdreg $0xFFFFFFFF  }
0xd2: {  	_ =	task.clear_ibuf [dreg:s22], $0x2FFFF;
	_ =	strace $0x9FFFFFFF  }
0xd3: {  	(tm) =	ssettm $0x7FFFFFFF  }
tec
execute0_lowered:
.L_overlay_start_1:
0x0: {  	(tag) =	ssettag $0x1  }
0x1: {  	s1 =	rddreg [dreg:$0x0];
	s2 =	srdreg.scid  }
0x2: {  	s4 =	rddreg [dreg:$0x1];
	s0 =	stileid.u32;
	s12 =	sand.u32 $0x1, s2  }
0x3: {  	s10 =	rddreg [dreg:$0x2];
	s5 =	sshll.u32 s0, $0xA;
	s6 =	sshll.u32 s12, $0x9  }
0x4: {  	s3 =	simm.s32 $0x0;
	s2 =	rddreg [dreg:$0x3];
	s11 =	sor.u32 s6, s5  }
0x5: {  	[smem:$0x7FF] =	sst s3;
	s5 =	sshrl.u32 s11, $0x3  }
0x6: {  	_ =	strace $0x8000004A;
	s4 =	sadd.s32 s4, s5;
	s5 =	simm.s32 $0x5  }
0x7: {  	[tilespmem:s3], [sflag:$0x5] =	stream.linear.gather [hbm4b:s4+s3], $0x200, $0x38;
	[tilespmem:$0x10200] =	vst v63  }
0x8: {  	_ =	swait.ge [sflag:s5], $0x200  }
0x9: {  	[sflag:s5] =	ssyncset.done $0x0  }
0xa: {  	s7 =	simm.s32 $0x200;
	s6 =	simm.s32 $0x100;
	[sflag:s5] =	ssyncadd.s32 $0xFFFFFE00  }
0xb: {  	[tilespmem:s7], [sflag:$0x1] =	stream.indirect.gather [hbm4b:s1+s6], $0x80, s3, s6, $0xb8;
	[tilespmem:$0x10200] =	vst v63  }
0xc: {  	s8 =	simm.s32 $0x8200;
	s9 =	simm.s32 $0x1  }
0xd: {  	[tilespmem:s8], [sflag:$0x2] =	stream.indirect.gather [hbm4b:s1+s6], $0x80, s6, s6, $0xb8;
	[tilespmem:$0x10200] =	vst v63  }
0xe: {  	s14 =	ssub.s32 $0x2, s12;
	s11 =	sshll.u32 s11, $0x4;
	_ =	swait.ge [sflag:s9], $0x8000  }
0xf: {  	s15 =	sshrl.u32 s14, $0x1;
	s13 =	sadd.s32 s11, s10;
	[sflag:s9] =	ssyncset.done $0x0  }
0x10: {  	s11 =	simm.s32 $0x2;
	s10 =	sadd.s32 $0x42800, s13;
	[sflag:s9] =	ssyncadd.s32 $0xFFFF8000  }
0x11: {  	[hbm4b:s10+s3] =	stream.linear.scatter [tilespmem:s7], [sflag:$0x3], $0x8000, $0x38;
	[tilespmem:$0x10200] =	vst v63  }
0x12: {  	s14 =	ssub.s32 s14, s15;
	_ =	swait.ge [sflag:s11], $0x8000  }
0x13: {  	s15 =	smax.u32 s14, $0x1;
	s12 =	sadd.s32 $0x43800, s13;
	[sflag:s11] =	ssyncset.done $0x0  }
0x14: {  	s13 =	simm.s32 $0x3;
	p0 =	sne.s32 s15, $0x1;
	[sflag:s11] =	ssyncadd.s32 $0xFFFF8000  }
0x15: {  	[hbm4b:s12+s3] =	stream.linear.scatter [tilespmem:s8], [sflag:$0x4], $0x8000, $0x38;
	[tilespmem:$0x10200] =	vst v63  }
.Ltmp0:
0x16: {  	_ =	swait.ge [sflag:s13], $0x8000;
	(pc) =	sbr.rel @!p0 .LBB2_2-.Ltmp0, $4  }
0x17: {  	[sflag:s13] =	ssyncset.done $0x0  }
0x18: {  	s14 =	simm.s32 $0x4;
	[sflag:s13] =	ssyncadd.s32 $0xFFFF8000  }
0x19: {  	_ =	swait.ge [sflag:s14], $0x8000  }
0x1a: {  	s15 =	sadd.s32 $0xFFFFFFFF, s15;
	[sflag:s14] =	ssyncset.done $0x0  }
.LBB2_1:
0x1b: {  	p0 =	sne.s32 s15, $0x1;
	s15 =	sadd.s32 $0xFFFFFFFF, s15;
	[sflag:s14] =	ssyncadd.s32 $0xFFFF8000  }
0x1c: {  	[tilespmem:s3], [sflag:$0x5] =	stream.linear.gather [hbm4b:s4+s3], $0x200, $0x38;
	[tilespmem:$0x10200] =	vst v63  }
0x1d: {  	_ =	swait.ge [sflag:s5], $0x200  }
0x1e: {  	[sflag:s5] =	ssyncset.done $0x0  }
0x1f: {  	[sflag:s5] =	ssyncadd.s32 $0xFFFFFE00  }
0x20: {  	[tilespmem:s7], [sflag:$0x1] =	stream.indirect.gather [hbm4b:s1+s6], $0x80, s3, s6, $0xb8;
	[tilespmem:$0x10200] =	vst v63  }
0x21: {  	_ = 	snop  }
0x22: {  	[tilespmem:s8], [sflag:$0x2] =	stream.indirect.gather [hbm4b:s1+s6], $0x80, s6, s6, $0xb8;
	[tilespmem:$0x10200] =	vst v63  }
0x23: {  	_ =	swait.ge [sflag:s9], $0x8000  }
0x24: {  	[sflag:s9] =	ssyncset.done $0x0  }
0x25: {  	[sflag:s9] =	ssyncadd.s32 $0xFFFF8000  }
0x26: {  	[hbm4b:s10+s3] =	stream.linear.scatter [tilespmem:s7], [sflag:$0x3], $0x8000, $0x38;
	[tilespmem:$0x10200] =	vst v63  }
0x27: {  	_ =	swait.ge [sflag:s11], $0x8000  }
0x28: {  	[sflag:s11] =	ssyncset.done $0x0  }
0x29: {  	[sflag:s11] =	ssyncadd.s32 $0xFFFF8000  }
0x2a: {  	[hbm4b:s12+s3] =	stream.linear.scatter [tilespmem:s8], [sflag:$0x4], $0x8000, $0x38;
	[tilespmem:$0x10200] =	vst v63  }
.Ltmp1:
0x2b: {  	_ =	swait.ge [sflag:s13], $0x8000;
	(pc) =	sbr.rel @p0 .LBB2_1-.Ltmp1, $4  }
0x2c: {  	[sflag:s13] =	ssyncset.done $0x0  }
0x2d: {  	[sflag:s13] =	ssyncadd.s32 $0xFFFF8000  }
0x2e: {  	_ =	swait.ge [sflag:s14], $0x8000  }
0x2f: {  	[sflag:s14] =	ssyncset.done $0x0  }
.LBB2_2:
0x30: {  	[sflag:s14] =	ssyncadd.s32 $0xFFFF8000  }
0x31: {  	_ =	sfence.sel $0x180000  }
0x32: {  	[bflag:$0x0] =	sbarrier.arrive $0xFFFF  }
0x33: {  	p0 =	sne.s32 s0, $0x0;
	_ =	strace $0x9000004A  }
0x34: {  	s0 =	sadd.s32 @!p0 $0x100000, s2;
	[bflag:$0x2] =	sbarrier.arrive $0xFFFF  }
0x35: {  	[sflag:s0] =	ssyncadd.tile.s32 @!p0 $0x1;
	_ =	shalt  }
.Lfunc_end2:
_tile_overlayer_lowered:
.L_overlay_start_2:
0x36: {  	(tag) =	ssettag $0x2  }
0x37: {  	s0 =	rddreg [dreg:$0x0];
	s2 =	stileid.u32  }
0x38: {  	s1 =	rddreg [dreg:$0x1];
	p0 =	sne.s32 s2, $0x0  }
0x39: {  	s3 =	rddreg [dreg:$0x2];
	[bflag:$0x3] =	sbarrier.arrive $0xFFFF;
	s2 =	simm.s32 @!p0 $0x1C05  }
0x3a: {  	[timem:s3], [sflag:s2] =	dma.local @!p0 [hbm:s0], s1  }
0x3b: {  	s0 =	simm.s32 @!p0 $0x5  }
0x3c: {  	_ =	swait.ge @!p0 [sflag:s0], s1  }
0x3d: {  	s1 =	ssub.s32 @!p0 $0x0, s1;
	[sflag:s0] =	ssyncset.done @!p0 $0x0  }
0x3e: {  	[sflag:s0] =	ssyncadd.s32 @!p0 s1  }
0x3f: {  	[bflag:$0x3] =	sbarrier.arrive $0xFFFF  }
0x40: {  	_ =	shalt  }

</sc_bundles>
